<compile_context>
chip_gen: v7x
topology: tpu7x:2x2x1
jax: 0.10.2.dev20260603
libtpu: 0.0.44.dev20260713+nightly
codegen_flags: <defaults>
</compile_context>

<pallas_src>
import functools

import jax
import jax.numpy as jnp
from jax import lax
from jax.experimental import pallas as pl
from jax.experimental.pallas import tpu as pltpu
from jax.experimental.pallas import tpu_sc as plsc

N_NODES = 10000
N_PAD = 10240
N_EDGES = 320000
D_IN = 128
D_HID = 256
D_OUT = 128

NC = 2
NS = 16
NW = NC * NS
CHUNK = 128
CH_PER_W = 80
E_PER_W = N_EDGES // NW
WIN = 10
N_WIN = CH_PER_W // WIN
ROWS_PER_TILE = N_PAD // NS
SHIFT = 14


def _sc_aggregate(x, packed, zeros):
    mesh = plsc.VectorSubcoreMesh(core_axis_name="c", subcore_axis_name="s")

    @functools.partial(
        pl.kernel,
        out_type=(
            jax.ShapeDtypeStruct((NC, N_PAD, D_IN), jnp.float32),
            jax.ShapeDtypeStruct((NW, N_PAD), jnp.float32),
        ),
        mesh=mesh,
        compiler_params=pltpu.CompilerParams(needs_layout_passes=False,
                                             use_tc_tiling_on_sc=False),
        scratch_types=[
            pltpu.VMEM((2, WIN, CHUNK), jnp.int32),
            pltpu.VMEM((2, CHUNK), jnp.int32),
            pltpu.VMEM((2, CHUNK), jnp.int32),
            pltpu.VMEM((2, CHUNK, D_IN), jnp.float32),
            pltpu.VMEM((N_PAD,), jnp.float32),
            pltpu.VMEM_SHARED((N_PAD, D_IN), jnp.float32),
            pltpu.SemaphoreType.DMA,
            pltpu.SemaphoreType.DMA,
            pltpu.SemaphoreType.DMA,
        ],
    )
    def k(xe_hbm, pk_hbm, zeros_hbm, out_hbm, cnt_hbm,
          pwin, sbuf, dbuf, rows, cnt, acc, gsem, ssem, isem):
        core = lax.axis_index("c")
        sid = lax.axis_index("s")
        wid = sid * NC + core

        pltpu.sync_copy(zeros_hbm, acc.at[pl.ds(sid * ROWS_PER_TILE, ROWS_PER_TILE)])

        z16 = jnp.zeros((16,), jnp.float32)

        def zbody(i, _):
            cnt[pl.ds(i * 16, 16)] = z16
            return ()

        lax.fori_loop(0, N_PAD // 16, zbody, (), unroll=False)
        plsc.subcore_barrier()

        mask_lo = jnp.int32((1 << SHIFT) - 1)

        def slot(c):
            return lax.rem(lax.div(c, WIN), 2), lax.rem(c, WIN)

        def unpack(c, b):
            wslot, crow = slot(c)
            for kk in range(CHUNK // 16):
                p16 = pwin[wslot, crow, pl.ds(kk * 16, 16)]
                d16 = lax.shift_right_logical(p16, SHIFT)
                dbuf[b, pl.ds(kk * 16, 16)] = d16
                sbuf[b, pl.ds(kk * 16, 16)] = p16 & mask_lo
                occ, lastm = plsc.scan_count(d16)
                plsc.addupdate_scatter(cnt, [d16], occ.astype(jnp.float32),
                                       mask=lastm)

        def gather_desc(c, b, sem):
            return pltpu.make_async_copy(
                xe_hbm.at[sbuf.at[0]], rows.at[b], sem)

        pltpu.sync_copy(pk_hbm.at[wid, 0], pwin.at[0])
        pltpu.async_copy(pk_hbm.at[wid, 1], pwin.at[1], isem)
        unpack(jnp.int32(0), jnp.int32(0))
        gather_desc(jnp.int32(0), jnp.int32(0), gsem).start()

        def body(j, _):
            b = lax.rem(j, 2)
            nb = lax.rem(j + 1, 2)
            gather_desc(j, b, gsem).wait()

            @pl.when(j >= 1)
            def _():
                pltpu.make_async_copy(rows.at[nb], acc.at[dbuf.at[nb]], ssem).wait()


            @pl.when(j < CH_PER_W - 1)
            def _():
                nwin = lax.div(j + 1, WIN)

                @pl.when(lax.rem(j + 1, WIN) == 0)
                def _():
                    pltpu.make_async_copy(pk_hbm.at[wid, nwin],
                                          pwin.at[lax.rem(nwin, 2)], isem).wait()

                    @pl.when(nwin < N_WIN - 1)
                    def _():
                        pltpu.async_copy(pk_hbm.at[wid, nwin + 1],
                                         pwin.at[lax.rem(nwin + 1, 2)], isem)

                unpack(j + 1, nb)
                gather_desc(j + 1, nb, gsem).start()

            pltpu.async_copy(rows.at[b], acc.at[dbuf.at[b]], ssem, add=True)
            return ()

        lax.fori_loop(0, CH_PER_W, body, (), unroll=False)
        last = (CH_PER_W - 1) % 2
        pltpu.make_async_copy(rows.at[last], acc.at[dbuf.at[last]], ssem).wait()

        plsc.subcore_barrier()
        pltpu.sync_copy(
            acc.at[pl.ds(sid * ROWS_PER_TILE, ROWS_PER_TILE)],
            out_hbm.at[core, pl.ds(sid * ROWS_PER_TILE, ROWS_PER_TILE)],
        )
        pltpu.sync_copy(cnt, cnt_hbm.at[wid])

    return k(x, packed, zeros)


def _tc_body(agg_ref, cnt_ref, x_ref, wl_ref, bl_ref, wr_ref, w1_ref, b1_ref,
             w2_ref, b2_ref, out_ref):
    a = agg_ref[0] + agg_ref[1]
    cnt = jnp.sum(cnt_ref[...], axis=1, keepdims=True)
    mean = a / jnp.maximum(cnt, 1.0)
    dn = (((1,), (1,)), ((), ()))
    h = lax.dot_general(mean, wl_ref[...], dn,
                        preferred_element_type=jnp.float32)
    h += lax.dot_general(x_ref[...], wr_ref[...], dn,
                         preferred_element_type=jnp.float32)
    h = jnp.maximum(h + bl_ref[...], 0.0)
    h1 = lax.dot_general(h, w1_ref[...], dn,
                         preferred_element_type=jnp.float32)
    h1 = jnp.maximum(h1 + b1_ref[...], 0.0)
    out = lax.dot_general(h1, w2_ref[...], dn,
                          preferred_element_type=jnp.float32)
    out_ref[...] = out + b2_ref[...]


def _tc_mlp(agg2, cnt_t, x, W_l, b_l, W_r, W1, b1, W2, b2):
    B = 1000
    grid = N_NODES // B
    return pl.pallas_call(
        _tc_body,
        grid=(grid,),
        in_specs=[
            pl.BlockSpec((NC, B, D_IN), lambda i: (0, i, 0)),
            pl.BlockSpec((B, NW), lambda i: (i, 0)),
            pl.BlockSpec((B, D_IN), lambda i: (i, 0)),
            pl.BlockSpec((D_HID, D_IN), lambda i: (0, 0)),
            pl.BlockSpec((1, D_HID), lambda i: (0, 0)),
            pl.BlockSpec((D_HID, D_IN), lambda i: (0, 0)),
            pl.BlockSpec((D_HID, D_HID), lambda i: (0, 0)),
            pl.BlockSpec((1, D_HID), lambda i: (0, 0)),
            pl.BlockSpec((D_OUT, D_HID), lambda i: (0, 0)),
            pl.BlockSpec((1, D_OUT), lambda i: (0, 0)),
        ],
        out_specs=pl.BlockSpec((B, D_OUT), lambda i: (i, 0)),
        out_shape=jax.ShapeDtypeStruct((N_NODES, D_OUT), jnp.float32),
    )(agg2, cnt_t, x, W_l, b_l, W_r, W1, b1, W2, b2)


def kernel(x, edge_index, W_l, b_l, W_r, W1, b1, W2, b2):
    src = edge_index[0].astype(jnp.int32)
    dst = edge_index[1].astype(jnp.int32)
    packed = ((dst << SHIFT) | src).reshape(NW, E_PER_W)
    n_dummy = CH_PER_W * CHUNK - E_PER_W
    dummy = (N_NODES + jnp.arange(n_dummy, dtype=jnp.int32) % (N_PAD - N_NODES)) << SHIFT
    packed = jnp.concatenate(
        [packed, jnp.broadcast_to(dummy, (NW, n_dummy))], axis=1)
    packed = packed.reshape(NW, N_WIN, WIN, CHUNK)
    zeros = jnp.zeros((ROWS_PER_TILE, D_IN), jnp.float32)
    agg2, cnt = _sc_aggregate(x, packed, zeros)
    return _tc_mlp(agg2, cnt.T, x, W_l, b_l.reshape(1, D_HID),
                   W_r, W1, b1.reshape(1, D_HID),
                   W2, b2.reshape(1, D_OUT))

# --- scband reference (transcript-rebuilt; emitter-appended) ---
"""Pipeline reference for scband-sageencoder-34419867910897 (READ-ONLY COPY).

The authoritative reference and input builder live on the scoring server;
editing this copy changes nothing except your own understanding.
"""

import jax, jax.numpy as jnp
import numpy as np

N_NODES = 10000
N_EDGES = 320000
D_IN = 128
D_HID = 256  # embedding_channels * 2
D_OUT = 128  # embedding_channels


def setup_inputs(seed: int = 0) -> dict:
    key = jax.random.key(seed)
    ks = jax.random.split(key, 10)
    x = jax.random.normal(ks[0], (N_NODES, D_IN), dtype=jnp.float32)
    edge_index = jax.random.randint(ks[1], (2, N_EDGES), 0, N_NODES, dtype=jnp.int64)
    # SAGEConv params: out = lin_l(mean_aggr(x_j)) + lin_r(x); lin_l has bias, lin_r no bias
    s1 = 1.0 / np.sqrt(D_IN)
    W_l = jax.random.uniform(ks[2], (D_HID, D_IN), minval=-s1, maxval=s1, dtype=jnp.float32)
    b_l = jax.random.uniform(ks[3], (D_HID,), minval=-s1, maxval=s1, dtype=jnp.float32)
    W_r = jax.random.uniform(ks[4], (D_HID, D_IN), minval=-s1, maxval=s1, dtype=jnp.float32)
    # MLP([256, 256, 128], dropout=0.5) in eval mode: Lin->BN(identity at init stats)->ReLU->Dropout(id)->Lin
    s2 = 1.0 / np.sqrt(D_HID)
    W1 = jax.random.uniform(ks[5], (D_HID, D_HID), minval=-s2, maxval=s2, dtype=jnp.float32)
    b1 = jax.random.uniform(ks[6], (D_HID,), minval=-s2, maxval=s2, dtype=jnp.float32)
    W2 = jax.random.uniform(ks[7], (D_OUT, D_HID), minval=-s2, maxval=s2, dtype=jnp.float32)
    b2 = jax.random.uniform(ks[8], (D_OUT,), minval=-s2, maxval=s2, dtype=jnp.float32)
    return {"x": x, "edge_index": edge_index, "W_l": W_l, "b_l": b_l, "W_r": W_r,
            "W1": W1, "b1": b1, "W2": W2, "b2": b2}


def reference(x, edge_index, W_l, b_l, W_r, W1, b1, W2, b2):
    src = edge_index[0]
    dst = edge_index[1]
    # mean aggregation over incoming edges (source_to_target flow)
    msgs = jnp.take(x, src, axis=0)                                   # gather [E, D_IN]
    agg = jax.ops.segment_sum(msgs, dst, num_segments=N_NODES)        # scatter-add [N, D_IN]
    cnt = jax.ops.segment_sum(jnp.ones((N_EDGES,), jnp.float32), dst, num_segments=N_NODES)
    mean = agg / jnp.clip(cnt, 1.0, None)[:, None]
    # SAGEConv: lin_l(mean) + lin_r(x), then ReLU
    h = mean @ W_l.T + b_l + x @ W_r.T
    h = jax.nn.relu(h)
    # MLP (eval mode): Linear -> BatchNorm(identity at init running stats) -> ReLU -> Dropout(id) -> Linear
    h1 = jax.nn.relu(h @ W1.T + b1)
    out = h1 @ W2.T + b2
    return out

if __name__ == "__main__":
    import jax
    _d = setup_inputs()
    print(jax.jit(kernel)(*tuple(_d.values())))

</pallas_src>

<mosaic_0001>
#map = affine_map<(d0, d1) -> (0, 0)>
#map1 = affine_map<(d0, d1) -> (0, 0, 0, 0)>
#map2 = affine_map<(d0, d1) -> (0, 0, 0)>
module attributes {stable_mosaic.version = 14 : i64} {
  func.func @k(%arg0: i32, %arg1: i32, %arg2: memref<10000x128xf32, #tpu.memory_space<hbm>>, %arg3: memref<32x8x10x128xi32, #tpu.memory_space<hbm>>, %arg4: memref<640x128xf32, #tpu.memory_space<hbm>>, %arg5: memref<2x10240x128xf32, #tpu.memory_space<hbm>>, %arg6: memref<32x10240xf32, #tpu.memory_space<hbm>>, %arg7: memref<2x10x128xi32, #tpu.memory_space<vmem>>, %arg8: memref<2x128xi32, #tpu.memory_space<vmem>>, %arg9: memref<2x128xi32, #tpu.memory_space<vmem>>, %arg10: memref<2x128x128xf32, #tpu.memory_space<vmem>>, %arg11: memref<10240xf32, #tpu.memory_space<vmem>>, %arg12: memref<10240x128xf32, #tpu.memory_space<vmem_shared>>, %arg13: memref<!tpu.dma_semaphore, #tpu.memory_space<semaphore_mem>>, %arg14: memref<!tpu.dma_semaphore, #tpu.memory_space<semaphore_mem>>, %arg15: memref<!tpu.dma_semaphore, #tpu.memory_space<semaphore_mem>>) attributes {dimension_semantics = [#tpu.dimension_semantics<core_parallel>, #tpu.dimension_semantics<subcore_parallel>], iteration_bounds = array<i64: 2, 16>, scalar_prefetch = 0 : i64, scratch_operands = 9 : i64, tpu.core_type = #tpu.core_type<sc_vector_subcore>, window_params = [{transform_indices = #map}, {transform_indices = #map1}, {transform_indices = #map}, {transform_indices = #map2}, {transform_indices = #map}]} {
    %mul3A = arith.constant 2 : i32
    %mul3A_0 = arith.muli %arg1, %mul3A : i32
    %add3A = arith.addi %mul3A_0, %arg0 : i32
    %mul3A_1 = arith.constant 640 : i32
    %mul3A_2 = arith.muli %arg1, %mul3A_1 : i32
    "tpu.region"() ({
      %run_scoped3A_244 = tpu.sem_alloc : memref<!tpu.dma_semaphore, #tpu.memory_space<semaphore_mem>>
      %dma_start3A_245 = arith.constant 0 : i32
      %dma_start3A_246 = tpu.memref_slice %arg12[%mul3A_2, %dma_start3A_245] : memref<10240x128xf32, #tpu.memory_space<vmem_shared>> -> memref<640x128xf32, #tpu.memory_space<vmem_shared>>
      tpu.enqueue_dma source(%arg4 : memref<640x128xf32, #tpu.memory_space<hbm>>) target(%dma_start3A_246 : memref<640x128xf32, #tpu.memory_space<vmem_shared>>) target_semaphore(%run_scoped3A_244 : memref<!tpu.dma_semaphore, #tpu.memory_space<semaphore_mem>>)
      %dma_wait3A_247 = arith.constant 0 : i32
      %dma_wait3A_248 = tpu.memref_slice %arg12[%mul3A_2, %dma_wait3A_247] : memref<10240x128xf32, #tpu.memory_space<vmem_shared>> -> memref<640x128xf32, #tpu.memory_space<vmem_shared>>
      tpu.wait_dma2 semaphore(%run_scoped3A_244 : memref<!tpu.dma_semaphore, #tpu.memory_space<semaphore_mem>>) src(%arg4 : memref<640x128xf32, #tpu.memory_space<hbm>>) dst(%dma_wait3A_248 : memref<640x128xf32, #tpu.memory_space<vmem_shared>>)
      tpu.yield
    }) : () -> ()
    %broadcast_in_dim3A = arith.constant 0.000000e+00 : f32
    %broadcast_in_dim3A_3 = vector.broadcast %broadcast_in_dim3A : f32 to vector<16xf32>
    %scan3A = arith.constant 0 : i32
    %scan3A_4 = arith.constant 640 : i32
    %scan3A_5 = arith.addi %scan3A, %scan3A_4 : i32
    %scan3A_6 = arith.constant 1 : i32
    scf.for %scan3A_244 = %scan3A to %scan3A_5 step %scan3A_6  : i32 {
      %mul3A_245 = arith.constant 16 : i32
      %mul3A_246 = arith.muli %scan3A_244, %mul3A_245 : i32
      %swap3A_247 = arith.index_cast %mul3A_246 : i32 to index
      %swap3A_248 = tpu.vector_load %arg11[%swap3A_247] {strides = array<i32>} : memref<10240xf32, #tpu.memory_space<vmem>>, vector<16xf32>,
      tpu.vector_store %arg11[%swap3A_247], %broadcast_in_dim3A_3 {strides = array<i32>} : memref<10240xf32, #tpu.memory_space<vmem>>, vector<16xf32>,
    }
    %scan3A_7 = arith.constant 640 : i32
    %barrier3A = arith.constant 0 : index
    tpu.barrier barrier_id(%barrier3A)
    %run_scoped3A = arith.constant 0 : i32
    %run_scoped3A_8 = arith.constant 0 : i32
    "tpu.region"() ({
      %run_scoped3A_244 = tpu.sem_alloc : memref<!tpu.dma_semaphore, #tpu.memory_space<semaphore_mem>>
      %dma_start3A_245 = arith.constant 0 : i32
      %dma_start3A_246 = arith.constant 0 : i32
      %dma_start3A_247 = tpu.memref_slice %arg7[%run_scoped3A_8, %dma_start3A_245, %dma_start3A_246] : memref<2x10x128xi32, #tpu.memory_space<vmem>> -> memref<1x10x128xi32, #tpu.memory_space<vmem>>
      %dma_start3A_248 = tpu.memref_squeeze %dma_start3A_247 : memref<1x10x128xi32, #tpu.memory_space<vmem>> -> memref<10x128xi32, #tpu.memory_space<vmem>>
      %dma_start3A_249 = arith.constant 0 : i32
      %dma_start3A_250 = arith.constant 0 : i32
      %dma_start3A_251 = tpu.memref_slice %arg3[%add3A, %run_scoped3A, %dma_start3A_249, %dma_start3A_250] : memref<32x8x10x128xi32, #tpu.memory_space<hbm>> -> memref<1x1x10x128xi32, #tpu.memory_space<hbm>>
      %dma_start3A_252 = tpu.memref_squeeze %dma_start3A_251 : memref<1x1x10x128xi32, #tpu.memory_space<hbm>> -> memref<10x128xi32, #tpu.memory_space<hbm>>
      %dma_start3A_253 = arith.constant 0 : i32
      %dma_start3A_254 = arith.constant 0 : i32
      %dma_start3A_255 = tpu.memref_slice %arg7[%run_scoped3A_8, %dma_start3A_253, %dma_start3A_254] : memref<2x10x128xi32, #tpu.memory_space<vmem>> -> memref<1x10x128xi32, #tpu.memory_space<vmem>>
      %dma_start3A_256 = tpu.memref_squeeze %dma_start3A_255 : memref<1x10x128xi32, #tpu.memory_space<vmem>> -> memref<10x128xi32, #tpu.memory_space<vmem>>
      %dma_start3A_257 = arith.constant 0 : i32
      %dma_start3A_258 = arith.constant 0 : i32
      %dma_start3A_259 = tpu.memref_slice %arg3[%add3A, %run_scoped3A, %dma_start3A_257, %dma_start3A_258] : memref<32x8x10x128xi32, #tpu.memory_space<hbm>> -> memref<1x1x10x128xi32, #tpu.memory_space<hbm>>
      %dma_start3A_260 = tpu.memref_squeeze %dma_start3A_259 : memref<1x1x10x128xi32, #tpu.memory_space<hbm>> -> memref<10x128xi32, #tpu.memory_space<hbm>>
      tpu.enqueue_dma source(%dma_start3A_260 : memref<10x128xi32, #tpu.memory_space<hbm>>) target(%dma_start3A_256 : memref<10x128xi32, #tpu.memory_space<vmem>>) target_semaphore(%run_scoped3A_244 : memref<!tpu.dma_semaphore, #tpu.memory_space<semaphore_mem>>)
      %dma_wait3A_261 = arith.constant 0 : i32
      %dma_wait3A_262 = arith.constant 0 : i32
      %dma_wait3A_263 = tpu.memref_slice %arg7[%run_scoped3A_8, %dma_wait3A_261, %dma_wait3A_262] : memref<2x10x128xi32, #tpu.memory_space<vmem>> -> memref<1x10x128xi32, #tpu.memory_space<vmem>>
      %dma_wait3A_264 = tpu.memref_squeeze %dma_wait3A_263 : memref<1x10x128xi32, #tpu.memory_space<vmem>> -> memref<10x128xi32, #tpu.memory_space<vmem>>
      %dma_wait3A_265 = arith.constant 0 : i32
      %dma_wait3A_266 = arith.constant 0 : i32
      %dma_wait3A_267 = tpu.memref_slice %arg3[%add3A, %run_scoped3A, %dma_wait3A_265, %dma_wait3A_266] : memref<32x8x10x128xi32, #tpu.memory_space<hbm>> -> memref<1x1x10x128xi32, #tpu.memory_space<hbm>>
      %dma_wait3A_268 = tpu.memref_squeeze %dma_wait3A_267 : memref<1x1x10x128xi32, #tpu.memory_space<hbm>> -> memref<10x128xi32, #tpu.memory_space<hbm>>
      %dma_wait3A_269 = arith.constant 0 : i32
      %dma_wait3A_270 = arith.constant 0 : i32
      %dma_wait3A_271 = tpu.memref_slice %arg7[%run_scoped3A_8, %dma_wait3A_269, %dma_wait3A_270] : memref<2x10x128xi32, #tpu.memory_space<vmem>> -> memref<1x10x128xi32, #tpu.memory_space<vmem>>
      %dma_wait3A_272 = tpu.memref_squeeze %dma_wait3A_271 : memref<1x10x128xi32, #tpu.memory_space<vmem>> -> memref<10x128xi32, #tpu.memory_space<vmem>>
      %dma_wait3A_273 = arith.constant 0 : i32
      %dma_wait3A_274 = arith.constant 0 : i32
      %dma_wait3A_275 = tpu.memref_slice %arg3[%add3A, %run_scoped3A, %dma_wait3A_273, %dma_wait3A_274] : memref<32x8x10x128xi32, #tpu.memory_space<hbm>> -> memref<1x1x10x128xi32, #tpu.memory_space<hbm>>
      %dma_wait3A_276 = tpu.memref_squeeze %dma_wait3A_275 : memref<1x1x10x128xi32, #tpu.memory_space<hbm>> -> memref<10x128xi32, #tpu.memory_space<hbm>>
      tpu.wait_dma2 semaphore(%run_scoped3A_244 : memref<!tpu.dma_semaphore, #tpu.memory_space<semaphore_mem>>) src(%dma_wait3A_276 : memref<10x128xi32, #tpu.memory_space<hbm>>) dst(%dma_wait3A_272 : memref<10x128xi32, #tpu.memory_space<vmem>>)
      tpu.yield
    }) : () -> ()
    %dma_start3A = arith.constant 1 : i32
    %dma_start3A_9 = arith.constant 1 : i32
    %dma_start3A_10 = arith.constant 0 : i32
    %dma_start3A_11 = arith.constant 0 : i32
    %dma_start3A_12 = tpu.memref_slice %arg7[%dma_start3A_9, %dma_start3A_10, %dma_start3A_11] : memref<2x10x128xi32, #tpu.memory_space<vmem>> -> memref<1x10x128xi32, #tpu.memory_space<vmem>>
    %dma_start3A_13 = tpu.memref_squeeze %dma_start3A_12 : memref<1x10x128xi32, #tpu.memory_space<vmem>> -> memref<10x128xi32, #tpu.memory_space<vmem>>
    %dma_start3A_14 = arith.constant 0 : i32
    %dma_start3A_15 = arith.constant 0 : i32
    %dma_start3A_16 = tpu.memref_slice %arg3[%add3A, %dma_start3A, %dma_start3A_14, %dma_start3A_15] : memref<32x8x10x128xi32, #tpu.memory_space<hbm>> -> memref<1x1x10x128xi32, #tpu.memory_space<hbm>>
    %dma_start3A_17 = tpu.memref_squeeze %dma_start3A_16 : memref<1x1x10x128xi32, #tpu.memory_space<hbm>> -> memref<10x128xi32, #tpu.memory_space<hbm>>
    %dma_start3A_18 = arith.constant 0 : i32
    %dma_start3A_19 = arith.constant 0 : i32
    %dma_start3A_20 = tpu.memref_slice %arg7[%dma_start3A_9, %dma_start3A_18, %dma_start3A_19] : memref<2x10x128xi32, #tpu.memory_space<vmem>> -> memref<1x10x128xi32, #tpu.memory_space<vmem>>
    %dma_start3A_21 = tpu.memref_squeeze %dma_start3A_20 : memref<1x10x128xi32, #tpu.memory_space<vmem>> -> memref<10x128xi32, #tpu.memory_space<vmem>>
    %dma_start3A_22 = arith.constant 0 : i32
    %dma_start3A_23 = arith.constant 0 : i32
    %dma_start3A_24 = tpu.memref_slice %arg3[%add3A, %dma_start3A, %dma_start3A_22, %dma_start3A_23] : memref<32x8x10x128xi32, #tpu.memory_space<hbm>> -> memref<1x1x10x128xi32, #tpu.memory_space<hbm>>
    %dma_start3A_25 = tpu.memref_squeeze %dma_start3A_24 : memref<1x1x10x128xi32, #tpu.memory_space<hbm>> -> memref<10x128xi32, #tpu.memory_space<hbm>>
    tpu.enqueue_dma source(%dma_start3A_25 : memref<10x128xi32, #tpu.memory_space<hbm>>) target(%dma_start3A_21 : memref<10x128xi32, #tpu.memory_space<vmem>>) target_semaphore(%arg15 : memref<!tpu.dma_semaphore, #tpu.memory_space<semaphore_mem>>)
    %div3A = arith.constant 0 : i32
    %div3A_26 = arith.constant 10 : i32
    %div3A_27 = arith.divsi %div3A, %div3A_26 : i32
    %rem3A = arith.constant 2 : i32
    %rem3A_28 = arith.remsi %div3A_27, %rem3A : i32
    %rem3A_29 = arith.constant 0 : i32
    %rem3A_30 = arith.constant 10 : i32
    %rem3A_31 = arith.remsi %rem3A_29, %rem3A_30 : i32
    %get3A = arith.index_cast %rem3A_28 : i32 to index
    %get3A_32 = arith.index_cast %rem3A_31 : i32 to index
    %get3A_33 = arith.constant 0 : index
    %get3A_34 = tpu.vector_load %arg7[%get3A, %get3A_32, %get3A_33] {strides = array<i32>} : memref<2x10x128xi32, #tpu.memory_space<vmem>>, vector<16xi32>,
    %shift_right_logical3A = arith.constant 14 : i32
    %shift_right_logical3A_35 = vector.broadcast %shift_right_logical3A : i32 to vector<16xi32>
    %shift_right_logical3A_36 = arith.shrui %get3A_34, %shift_right_logical3A_35 : vector<16xi32>
    %swap3A = arith.constant 0 : i32
    %swap3A_37 = arith.index_cast %swap3A : i32 to index
    %swap3A_38 = arith.constant 0 : index
    %swap3A_39 = tpu.vector_load %arg9[%swap3A_37, %swap3A_38] {strides = array<i32>} : memref<2x128xi32, #tpu.memory_space<vmem>>, vector<16xi32>,
    tpu.vector_store %arg9[%swap3A_37, %swap3A_38], %shift_right_logical3A_36 {strides = array<i32>} : memref<2x128xi32, #tpu.memory_space<vmem>>, vector<16xi32>,
    %and3A = arith.constant 16383 : i32
    %and3A_40 = vector.broadcast %and3A : i32 to vector<16xi32>
    %and3A_41 = arith.andi %get3A_34, %and3A_40 : vector<16xi32>
    %swap3A_42 = arith.constant 0 : i32
    %swap3A_43 = arith.index_cast %swap3A_42 : i32 to index
    %swap3A_44 = arith.constant 0 : index
    %swap3A_45 = tpu.vector_load %arg8[%swap3A_43, %swap3A_44] {strides = array<i32>} : memref<2x128xi32, #tpu.memory_space<vmem>>, vector<16xi32>,
    tpu.vector_store %arg8[%swap3A_43, %swap3A_44], %and3A_41 {strides = array<i32>} : memref<2x128xi32, #tpu.memory_space<vmem>>, vector<16xi32>,
    %broadcast_in_dim3A_46 = arith.constant true
    %broadcast_in_dim3A_47 = vector.broadcast %broadcast_in_dim3A_46 : i1 to vector<16xi1>
    %unique3A, %unique3A_48 = tpu.scan_count mask(%broadcast_in_dim3A_47 : vector<16xi1>) value(%shift_right_logical3A_36 : vector<16xi32>) : vector<16xi1>, vector<16xi32>
    %convert_element_type3A = arith.sitofp %unique3A_48 : vector<16xi32> to vector<16xf32>
    tpu.vector_store_idx %arg11[%shift_right_logical3A_36], %convert_element_type3A masked %unique3A {add = true} : memref<10240xf32, #tpu.memory_space<vmem>>[vector<16xi32>], vector<16xf32>, vector<16xi1>
    %get3A_49 = arith.index_cast %rem3A_28 : i32 to index
    %get3A_50 = arith.index_cast %rem3A_31 : i32 to index
    %get3A_51 = arith.constant 16 : index
    %get3A_52 = tpu.vector_load %arg7[%get3A_49, %get3A_50, %get3A_51] {strides = array<i32>} : memref<2x10x128xi32, #tpu.memory_space<vmem>>, vector<16xi32>,
    %shift_right_logical3A_53 = arith.constant 14 : i32
    %shift_right_logical3A_54 = vector.broadcast %shift_right_logical3A_53 : i32 to vector<16xi32>
    %shift_right_logical3A_55 = arith.shrui %get3A_52, %shift_right_logical3A_54 : vector<16xi32>
    %swap3A_56 = arith.constant 0 : i32
    %swap3A_57 = arith.index_cast %swap3A_56 : i32 to index
    %swap3A_58 = arith.constant 16 : index
    %swap3A_59 = tpu.vector_load %arg9[%swap3A_57, %swap3A_58] {strides = array<i32>} : memref<2x128xi32, #tpu.memory_space<vmem>>, vector<16xi32>,
    tpu.vector_store %arg9[%swap3A_57, %swap3A_58], %shift_right_logical3A_55 {strides = array<i32>} : memref<2x128xi32, #tpu.memory_space<vmem>>, vector<16xi32>,
    %and3A_60 = arith.constant 16383 : i32
    %and3A_61 = vector.broadcast %and3A_60 : i32 to vector<16xi32>
    %and3A_62 = arith.andi %get3A_52, %and3A_61 : vector<16xi32>
    %swap3A_63 = arith.constant 0 : i32
    %swap3A_64 = arith.index_cast %swap3A_63 : i32 to index
    %swap3A_65 = arith.constant 16 : index
    %swap3A_66 = tpu.vector_load %arg8[%swap3A_64, %swap3A_65] {strides = array<i32>} : memref<2x128xi32, #tpu.memory_space<vmem>>, vector<16xi32>,
    tpu.vector_store %arg8[%swap3A_64, %swap3A_65], %and3A_62 {strides = array<i32>} : memref<2x128xi32, #tpu.memory_space<vmem>>, vector<16xi32>,
    %broadcast_in_dim3A_67 = arith.constant true
    %broadcast_in_dim3A_68 = vector.broadcast %broadcast_in_dim3A_67 : i1 to vector<16xi1>
    %unique3A_69, %unique3A_70 = tpu.scan_count mask(%broadcast_in_dim3A_68 : vector<16xi1>) value(%shift_right_logical3A_55 : vector<16xi32>) : vector<16xi1>, vector<16xi32>
    %convert_element_type3A_71 = arith.sitofp %unique3A_70 : vector<16xi32> to vector<16xf32>
    tpu.vector_store_idx %arg11[%shift_right_logical3A_55], %convert_element_type3A_71 masked %unique3A_69 {add = true} : memref<10240xf32, #tpu.memory_space<vmem>>[vector<16xi32>], vector<16xf32>, vector<16xi1>
    %get3A_72 = arith.index_cast %rem3A_28 : i32 to index
    %get3A_73 = arith.index_cast %rem3A_31 : i32 to index
    %get3A_74 = arith.constant 32 : index
    %get3A_75 = tpu.vector_load %arg7[%get3A_72, %get3A_73, %get3A_74] {strides = array<i32>} : memref<2x10x128xi32, #tpu.memory_space<vmem>>, vector<16xi32>,
    %shift_right_logical3A_76 = arith.constant 14 : i32
    %shift_right_logical3A_77 = vector.broadcast %shift_right_logical3A_76 : i32 to vector<16xi32>
    %shift_right_logical3A_78 = arith.shrui %get3A_75, %shift_right_logical3A_77 : vector<16xi32>
    %swap3A_79 = arith.constant 0 : i32
    %swap3A_80 = arith.index_cast %swap3A_79 : i32 to index
    %swap3A_81 = arith.constant 32 : index
    %swap3A_82 = tpu.vector_load %arg9[%swap3A_80, %swap3A_81] {strides = array<i32>} : memref<2x128xi32, #tpu.memory_space<vmem>>, vector<16xi32>,
    tpu.vector_store %arg9[%swap3A_80, %swap3A_81], %shift_right_logical3A_78 {strides = array<i32>} : memref<2x128xi32, #tpu.memory_space<vmem>>, vector<16xi32>,
    %and3A_83 = arith.constant 16383 : i32
    %and3A_84 = vector.broadcast %and3A_83 : i32 to vector<16xi32>
    %and3A_85 = arith.andi %get3A_75, %and3A_84 : vector<16xi32>
    %swap3A_86 = arith.constant 0 : i32
    %swap3A_87 = arith.index_cast %swap3A_86 : i32 to index
    %swap3A_88 = arith.constant 32 : index
    %swap3A_89 = tpu.vector_load %arg8[%swap3A_87, %swap3A_88] {strides = array<i32>} : memref<2x128xi32, #tpu.memory_space<vmem>>, vector<16xi32>,
    tpu.vector_store %arg8[%swap3A_87, %swap3A_88], %and3A_85 {strides = array<i32>} : memref<2x128xi32, #tpu.memory_space<vmem>>, vector<16xi32>,
    %broadcast_in_dim3A_90 = arith.constant true
    %broadcast_in_dim3A_91 = vector.broadcast %broadcast_in_dim3A_90 : i1 to vector<16xi1>
    %unique3A_92, %unique3A_93 = tpu.scan_count mask(%broadcast_in_dim3A_91 : vector<16xi1>) value(%shift_right_logical3A_78 : vector<16xi32>) : vector<16xi1>, vector<16xi32>
    %convert_element_type3A_94 = arith.sitofp %unique3A_93 : vector<16xi32> to vector<16xf32>
    tpu.vector_store_idx %arg11[%shift_right_logical3A_78], %convert_element_type3A_94 masked %unique3A_92 {add = true} : memref<10240xf32, #tpu.memory_space<vmem>>[vector<16xi32>], vector<16xf32>, vector<16xi1>
    %get3A_95 = arith.index_cast %rem3A_28 : i32 to index
    %get3A_96 = arith.index_cast %rem3A_31 : i32 to index
    %get3A_97 = arith.constant 48 : index
    %get3A_98 = tpu.vector_load %arg7[%get3A_95, %get3A_96, %get3A_97] {strides = array<i32>} : memref<2x10x128xi32, #tpu.memory_space<vmem>>, vector<16xi32>,
    %shift_right_logical3A_99 = arith.constant 14 : i32
    %shift_right_logical3A_100 = vector.broadcast %shift_right_logical3A_99 : i32 to vector<16xi32>
    %shift_right_logical3A_101 = arith.shrui %get3A_98, %shift_right_logical3A_100 : vector<16xi32>
    %swap3A_102 = arith.constant 0 : i32
    %swap3A_103 = arith.index_cast %swap3A_102 : i32 to index
    %swap3A_104 = arith.constant 48 : index
    %swap3A_105 = tpu.vector_load %arg9[%swap3A_103, %swap3A_104] {strides = array<i32>} : memref<2x128xi32, #tpu.memory_space<vmem>>, vector<16xi32>,
    tpu.vector_store %arg9[%swap3A_103, %swap3A_104], %shift_right_logical3A_101 {strides = array<i32>} : memref<2x128xi32, #tpu.memory_space<vmem>>, vector<16xi32>,
    %and3A_106 = arith.constant 16383 : i32
    %and3A_107 = vector.broadcast %and3A_106 : i32 to vector<16xi32>
    %and3A_108 = arith.andi %get3A_98, %and3A_107 : vector<16xi32>
    %swap3A_109 = arith.constant 0 : i32
    %swap3A_110 = arith.index_cast %swap3A_109 : i32 to index
    %swap3A_111 = arith.constant 48 : index
    %swap3A_112 = tpu.vector_load %arg8[%swap3A_110, %swap3A_111] {strides = array<i32>} : memref<2x128xi32, #tpu.memory_space<vmem>>, vector<16xi32>,
    tpu.vector_store %arg8[%swap3A_110, %swap3A_111], %and3A_108 {strides = array<i32>} : memref<2x128xi32, #tpu.memory_space<vmem>>, vector<16xi32>,
    %broadcast_in_dim3A_113 = arith.constant true
    %broadcast_in_dim3A_114 = vector.broadcast %broadcast_in_dim3A_113 : i1 to vector<16xi1>
    %unique3A_115, %unique3A_116 = tpu.scan_count mask(%broadcast_in_dim3A_114 : vector<16xi1>) value(%shift_right_logical3A_101 : vector<16xi32>) : vector<16xi1>, vector<16xi32>
    %convert_element_type3A_117 = arith.sitofp %unique3A_116 : vector<16xi32> to vector<16xf32>
    tpu.vector_store_idx %arg11[%shift_right_logical3A_101], %convert_element_type3A_117 masked %unique3A_115 {add = true} : memref<10240xf32, #tpu.memory_space<vmem>>[vector<16xi32>], vector<16xf32>, vector<16xi1>
    %get3A_118 = arith.index_cast %rem3A_28 : i32 to index
    %get3A_119 = arith.index_cast %rem3A_31 : i32 to index
    %get3A_120 = arith.constant 64 : index
    %get3A_121 = tpu.vector_load %arg7[%get3A_118, %get3A_119, %get3A_120] {strides = array<i32>} : memref<2x10x128xi32, #tpu.memory_space<vmem>>, vector<16xi32>,
    %shift_right_logical3A_122 = arith.constant 14 : i32
    %shift_right_logical3A_123 = vector.broadcast %shift_right_logical3A_122 : i32 to vector<16xi32>
    %shift_right_logical3A_124 = arith.shrui %get3A_121, %shift_right_logical3A_123 : vector<16xi32>
    %swap3A_125 = arith.constant 0 : i32
    %swap3A_126 = arith.index_cast %swap3A_125 : i32 to index
    %swap3A_127 = arith.constant 64 : index
    %swap3A_128 = tpu.vector_load %arg9[%swap3A_126, %swap3A_127] {strides = array<i32>} : memref<2x128xi32, #tpu.memory_space<vmem>>, vector<16xi32>,
    tpu.vector_store %arg9[%swap3A_126, %swap3A_127], %shift_right_logical3A_124 {strides = array<i32>} : memref<2x128xi32, #tpu.memory_space<vmem>>, vector<16xi32>,
    %and3A_129 = arith.constant 16383 : i32
    %and3A_130 = vector.broadcast %and3A_129 : i32 to vector<16xi32>
    %and3A_131 = arith.andi %get3A_121, %and3A_130 : vector<16xi32>
    %swap3A_132 = arith.constant 0 : i32
    %swap3A_133 = arith.index_cast %swap3A_132 : i32 to index
    %swap3A_134 = arith.constant 64 : index
    %swap3A_135 = tpu.vector_load %arg8[%swap3A_133, %swap3A_134] {strides = array<i32>} : memref<2x128xi32, #tpu.memory_space<vmem>>, vector<16xi32>,
    tpu.vector_store %arg8[%swap3A_133, %swap3A_134], %and3A_131 {strides = array<i32>} : memref<2x128xi32, #tpu.memory_space<vmem>>, vector<16xi32>,
    %broadcast_in_dim3A_136 = arith.constant true
    %broadcast_in_dim3A_137 = vector.broadcast %broadcast_in_dim3A_136 : i1 to vector<16xi1>
    %unique3A_138, %unique3A_139 = tpu.scan_count mask(%broadcast_in_dim3A_137 : vector<16xi1>) value(%shift_right_logical3A_124 : vector<16xi32>) : vector<16xi1>, vector<16xi32>
    %convert_element_type3A_140 = arith.sitofp %unique3A_139 : vector<16xi32> to vector<16xf32>
    tpu.vector_store_idx %arg11[%shift_right_logical3A_124], %convert_element_type3A_140 masked %unique3A_138 {add = true} : memref<10240xf32, #tpu.memory_space<vmem>>[vector<16xi32>], vector<16xf32>, vector<16xi1>
    %get3A_141 = arith.index_cast %rem3A_28 : i32 to index
    %get3A_142 = arith.index_cast %rem3A_31 : i32 to index
    %get3A_143 = arith.constant 80 : index
    %get3A_144 = tpu.vector_load %arg7[%get3A_141, %get3A_142, %get3A_143] {strides = array<i32>} : memref<2x10x128xi32, #tpu.memory_space<vmem>>, vector<16xi32>,
    %shift_right_logical3A_145 = arith.constant 14 : i32
    %shift_right_logical3A_146 = vector.broadcast %shift_right_logical3A_145 : i32 to vector<16xi32>
    %shift_right_logical3A_147 = arith.shrui %get3A_144, %shift_right_logical3A_146 : vector<16xi32>
    %swap3A_148 = arith.constant 0 : i32
    %swap3A_149 = arith.index_cast %swap3A_148 : i32 to index
    %swap3A_150 = arith.constant 80 : index
    %swap3A_151 = tpu.vector_load %arg9[%swap3A_149, %swap3A_150] {strides = array<i32>} : memref<2x128xi32, #tpu.memory_space<vmem>>, vector<16xi32>,
    tpu.vector_store %arg9[%swap3A_149, %swap3A_150], %shift_right_logical3A_147 {strides = array<i32>} : memref<2x128xi32, #tpu.memory_space<vmem>>, vector<16xi32>,
    %and3A_152 = arith.constant 16383 : i32
    %and3A_153 = vector.broadcast %and3A_152 : i32 to vector<16xi32>
    %and3A_154 = arith.andi %get3A_144, %and3A_153 : vector<16xi32>
    %swap3A_155 = arith.constant 0 : i32
    %swap3A_156 = arith.index_cast %swap3A_155 : i32 to index
    %swap3A_157 = arith.constant 80 : index
    %swap3A_158 = tpu.vector_load %arg8[%swap3A_156, %swap3A_157] {strides = array<i32>} : memref<2x128xi32, #tpu.memory_space<vmem>>, vector<16xi32>,
    tpu.vector_store %arg8[%swap3A_156, %swap3A_157], %and3A_154 {strides = array<i32>} : memref<2x128xi32, #tpu.memory_space<vmem>>, vector<16xi32>,
    %broadcast_in_dim3A_159 = arith.constant true
    %broadcast_in_dim3A_160 = vector.broadcast %broadcast_in_dim3A_159 : i1 to vector<16xi1>
    %unique3A_161, %unique3A_162 = tpu.scan_count mask(%broadcast_in_dim3A_160 : vector<16xi1>) value(%shift_right_logical3A_147 : vector<16xi32>) : vector<16xi1>, vector<16xi32>
    %convert_element_type3A_163 = arith.sitofp %unique3A_162 : vector<16xi32> to vector<16xf32>
    tpu.vector_store_idx %arg11[%shift_right_logical3A_147], %convert_element_type3A_163 masked %unique3A_161 {add = true} : memref<10240xf32, #tpu.memory_space<vmem>>[vector<16xi32>], vector<16xf32>, vector<16xi1>
    %get3A_164 = arith.index_cast %rem3A_28 : i32 to index
    %get3A_165 = arith.index_cast %rem3A_31 : i32 to index
    %get3A_166 = arith.constant 96 : index
    %get3A_167 = tpu.vector_load %arg7[%get3A_164, %get3A_165, %get3A_166] {strides = array<i32>} : memref<2x10x128xi32, #tpu.memory_space<vmem>>, vector<16xi32>,
    %shift_right_logical3A_168 = arith.constant 14 : i32
    %shift_right_logical3A_169 = vector.broadcast %shift_right_logical3A_168 : i32 to vector<16xi32>
    %shift_right_logical3A_170 = arith.shrui %get3A_167, %shift_right_logical3A_169 : vector<16xi32>
    %swap3A_171 = arith.constant 0 : i32
    %swap3A_172 = arith.index_cast %swap3A_171 : i32 to index
    %swap3A_173 = arith.constant 96 : index
    %swap3A_174 = tpu.vector_load %arg9[%swap3A_172, %swap3A_173] {strides = array<i32>} : memref<2x128xi32, #tpu.memory_space<vmem>>, vector<16xi32>,
    tpu.vector_store %arg9[%swap3A_172, %swap3A_173], %shift_right_logical3A_170 {strides = array<i32>} : memref<2x128xi32, #tpu.memory_space<vmem>>, vector<16xi32>,
    %and3A_175 = arith.constant 16383 : i32
    %and3A_176 = vector.broadcast %and3A_175 : i32 to vector<16xi32>
    %and3A_177 = arith.andi %get3A_167, %and3A_176 : vector<16xi32>
    %swap3A_178 = arith.constant 0 : i32
    %swap3A_179 = arith.index_cast %swap3A_178 : i32 to index
    %swap3A_180 = arith.constant 96 : index
    %swap3A_181 = tpu.vector_load %arg8[%swap3A_179, %swap3A_180] {strides = array<i32>} : memref<2x128xi32, #tpu.memory_space<vmem>>, vector<16xi32>,
    tpu.vector_store %arg8[%swap3A_179, %swap3A_180], %and3A_177 {strides = array<i32>} : memref<2x128xi32, #tpu.memory_space<vmem>>, vector<16xi32>,
    %broadcast_in_dim3A_182 = arith.constant true
    %broadcast_in_dim3A_183 = vector.broadcast %broadcast_in_dim3A_182 : i1 to vector<16xi1>
    %unique3A_184, %unique3A_185 = tpu.scan_count mask(%broadcast_in_dim3A_183 : vector<16xi1>) value(%shift_right_logical3A_170 : vector<16xi32>) : vector<16xi1>, vector<16xi32>
    %convert_element_type3A_186 = arith.sitofp %unique3A_185 : vector<16xi32> to vector<16xf32>
    tpu.vector_store_idx %arg11[%shift_right_logical3A_170], %convert_element_type3A_186 masked %unique3A_184 {add = true} : memref<10240xf32, #tpu.memory_space<vmem>>[vector<16xi32>], vector<16xf32>, vector<16xi1>
    %get3A_187 = arith.index_cast %rem3A_28 : i32 to index
    %get3A_188 = arith.index_cast %rem3A_31 : i32 to index
    %get3A_189 = arith.constant 112 : index
    %get3A_190 = tpu.vector_load %arg7[%get3A_187, %get3A_188, %get3A_189] {strides = array<i32>} : memref<2x10x128xi32, #tpu.memory_space<vmem>>, vector<16xi32>,
    %shift_right_logical3A_191 = arith.constant 14 : i32
    %shift_right_logical3A_192 = vector.broadcast %shift_right_logical3A_191 : i32 to vector<16xi32>
    %shift_right_logical3A_193 = arith.shrui %get3A_190, %shift_right_logical3A_192 : vector<16xi32>
    %swap3A_194 = arith.constant 0 : i32
    %swap3A_195 = arith.index_cast %swap3A_194 : i32 to index
    %swap3A_196 = arith.constant 112 : index
    %swap3A_197 = tpu.vector_load %arg9[%swap3A_195, %swap3A_196] {strides = array<i32>} : memref<2x128xi32, #tpu.memory_space<vmem>>, vector<16xi32>,
    tpu.vector_store %arg9[%swap3A_195, %swap3A_196], %shift_right_logical3A_193 {strides = array<i32>} : memref<2x128xi32, #tpu.memory_space<vmem>>, vector<16xi32>,
    %and3A_198 = arith.constant 16383 : i32
    %and3A_199 = vector.broadcast %and3A_198 : i32 to vector<16xi32>
    %and3A_200 = arith.andi %get3A_190, %and3A_199 : vector<16xi32>
    %swap3A_201 = arith.constant 0 : i32
    %swap3A_202 = arith.index_cast %swap3A_201 : i32 to index
    %swap3A_203 = arith.constant 112 : index
    %swap3A_204 = tpu.vector_load %arg8[%swap3A_202, %swap3A_203] {strides = array<i32>} : memref<2x128xi32, #tpu.memory_space<vmem>>, vector<16xi32>,
    tpu.vector_store %arg8[%swap3A_202, %swap3A_203], %and3A_200 {strides = array<i32>} : memref<2x128xi32, #tpu.memory_space<vmem>>, vector<16xi32>,
    %broadcast_in_dim3A_205 = arith.constant true
    %broadcast_in_dim3A_206 = vector.broadcast %broadcast_in_dim3A_205 : i1 to vector<16xi1>
    %unique3A_207, %unique3A_208 = tpu.scan_count mask(%broadcast_in_dim3A_206 : vector<16xi1>) value(%shift_right_logical3A_193 : vector<16xi32>) : vector<16xi1>, vector<16xi32>
    %convert_element_type3A_209 = arith.sitofp %unique3A_208 : vector<16xi32> to vector<16xf32>
    tpu.vector_store_idx %arg11[%shift_right_logical3A_193], %convert_element_type3A_209 masked %unique3A_207 {add = true} : memref<10240xf32, #tpu.memory_space<vmem>>[vector<16xi32>], vector<16xf32>, vector<16xi1>
    %dma_start3A_210 = arith.constant 0 : i32
    %dma_start3A_211 = arith.constant 0 : i32
    %dma_start3A_212 = arith.constant 0 : i32
    %dma_start3A_213 = arith.constant 0 : i32
    %dma_start3A_214 = tpu.memref_slice %arg10[%dma_start3A_211, %dma_start3A_212, %dma_start3A_213] : memref<2x128x128xf32, #tpu.memory_space<vmem>> -> memref<1x128x128xf32, #tpu.memory_space<vmem>>
    %dma_start3A_215 = tpu.memref_squeeze %dma_start3A_214 : memref<1x128x128xf32, #tpu.memory_space<vmem>> -> memref<128x128xf32, #tpu.memory_space<vmem>>
    %dma_start3A_216 = arith.constant 0 : i32
    %dma_start3A_217 = tpu.memref_slice %arg8[%dma_start3A_210, %dma_start3A_216] : memref<2x128xi32, #tpu.memory_space<vmem>> -> memref<1x128xi32, #tpu.memory_space<vmem>>
    %dma_start3A_218 = tpu.memref_squeeze %dma_start3A_217 : memref<1x128xi32, #tpu.memory_space<vmem>> -> memref<128xi32, #tpu.memory_space<vmem>>
    %dma_start3A_219 = arith.constant 0 : i32
    %dma_start3A_220 = arith.constant 0 : i32
    %dma_start3A_221 = tpu.memref_slice %arg2[%dma_start3A_219, %dma_start3A_220] : memref<10000x128xf32, #tpu.memory_space<hbm>> -> memref<10000x128xf32, #tpu.memory_space<hbm>>
    tpu.enqueue_indirect_dma source(%dma_start3A_221 : memref<10000x128xf32, #tpu.memory_space<hbm>>) target(%dma_start3A_215 : memref<128x128xf32, #tpu.memory_space<vmem>>) offsets(%dma_start3A_218 : memref<128xi32, #tpu.memory_space<vmem>>) semaphore(%arg13 : memref<!tpu.dma_semaphore, #tpu.memory_space<semaphore_mem>>)
    %scan3A_222 = arith.constant 16383 : i32
    %scan3A_223 = arith.constant 0 : i32
    %scan3A_224 = arith.constant 80 : i32
    %scan3A_225 = arith.addi %scan3A_223, %scan3A_224 : i32
    %scan3A_226 = arith.constant 1 : i32
    scf.for %scan3A_244 = %scan3A_223 to %scan3A_225 step %scan3A_226  : i32 {
      %rem3A_245 = arith.constant 2 : i32
      %rem3A_246 = arith.remsi %scan3A_244, %rem3A_245 : i32
      %add3A_247 = arith.constant 1 : i32
      %add3A_248 = arith.addi %scan3A_244, %add3A_247 : i32
      %rem3A_249 = arith.constant 2 : i32
      %rem3A_250 = arith.remsi %add3A_248, %rem3A_249 : i32
      %dma_wait3A_251 = arith.constant 0 : i32
      %dma_wait3A_252 = arith.constant 0 : i32
      %dma_wait3A_253 = arith.constant 0 : i32
      %dma_wait3A_254 = tpu.memref_slice %arg10[%rem3A_246, %dma_wait3A_252, %dma_wait3A_253] : memref<2x128x128xf32, #tpu.memory_space<vmem>> -> memref<1x128x128xf32, #tpu.memory_space<vmem>>
      %dma_wait3A_255 = tpu.memref_squeeze %dma_wait3A_254 : memref<1x128x128xf32, #tpu.memory_space<vmem>> -> memref<128x128xf32, #tpu.memory_space<vmem>>
      %dma_wait3A_256 = arith.constant 0 : i32
      %dma_wait3A_257 = tpu.memref_slice %arg8[%dma_wait3A_251, %dma_wait3A_256] : memref<2x128xi32, #tpu.memory_space<vmem>> -> memref<1x128xi32, #tpu.memory_space<vmem>>
      %dma_wait3A_258 = tpu.memref_squeeze %dma_wait3A_257 : memref<1x128xi32, #tpu.memory_space<vmem>> -> memref<128xi32, #tpu.memory_space<vmem>>
      %dma_wait3A_259 = arith.constant 0 : i32
      %dma_wait3A_260 = arith.constant 0 : i32
      %dma_wait3A_261 = tpu.memref_slice %arg2[%dma_wait3A_259, %dma_wait3A_260] : memref<10000x128xf32, #tpu.memory_space<hbm>> -> memref<10000x128xf32, #tpu.memory_space<hbm>>
      tpu.wait_indirect_dma semaphore(%arg13 : memref<!tpu.dma_semaphore, #tpu.memory_space<semaphore_mem>>) src(%dma_wait3A_261 : memref<10000x128xf32, #tpu.memory_space<hbm>>) dst(%dma_wait3A_255 : memref<128x128xf32, #tpu.memory_space<vmem>>)
      %ge3A = arith.constant 1 : i32
      %ge3A_262 = arith.cmpi sge, %scan3A_244, %ge3A : i32
      %convert_element_type3A_263 = arith.extui %ge3A_262 : i1 to i32
      %cond3A = arith.constant 0 : i32
      %cond3A_264 = arith.cmpi ne, %convert_element_type3A_263, %cond3A : i32
      scf.if %cond3A_264 {
        %dma_wait3A_279 = arith.constant 0 : i32
        %dma_wait3A_280 = arith.constant 0 : i32
        %dma_wait3A_281 = tpu.memref_slice %arg10[%rem3A_250, %dma_wait3A_279, %dma_wait3A_280] : memref<2x128x128xf32, #tpu.memory_space<vmem>> -> memref<1x128x128xf32, #tpu.memory_space<vmem>>
        %dma_wait3A_282 = tpu.memref_squeeze %dma_wait3A_281 : memref<1x128x128xf32, #tpu.memory_space<vmem>> -> memref<128x128xf32, #tpu.memory_space<vmem>>
        %dma_wait3A_283 = arith.constant 0 : i32
        %dma_wait3A_284 = tpu.memref_slice %arg9[%rem3A_250, %dma_wait3A_283] : memref<2x128xi32, #tpu.memory_space<vmem>> -> memref<1x128xi32, #tpu.memory_space<vmem>>
        %dma_wait3A_285 = tpu.memref_squeeze %dma_wait3A_284 : memref<1x128xi32, #tpu.memory_space<vmem>> -> memref<128xi32, #tpu.memory_space<vmem>>
        %dma_wait3A_286 = arith.constant 0 : i32
        %dma_wait3A_287 = arith.constant 0 : i32
        %dma_wait3A_288 = tpu.memref_slice %arg12[%dma_wait3A_286, %dma_wait3A_287] : memref<10240x128xf32, #tpu.memory_space<vmem_shared>> -> memref<10240x128xf32, #tpu.memory_space<vmem_shared>>
        tpu.wait_indirect_dma semaphore(%arg14 : memref<!tpu.dma_semaphore, #tpu.memory_space<semaphore_mem>>) src(%dma_wait3A_282 : memref<128x128xf32, #tpu.memory_space<vmem>>) dst(%dma_wait3A_288 : memref<10240x128xf32, #tpu.memory_space<vmem_shared>>)
      } else {
      }
      %lt3A = arith.constant 79 : i32
      %lt3A_265 = arith.cmpi slt, %scan3A_244, %lt3A : i32
      %convert_element_type3A_266 = arith.extui %lt3A_265 : i1 to i32
      %cond3A_267 = arith.constant 0 : i32
      %cond3A_268 = arith.cmpi ne, %convert_element_type3A_266, %cond3A_267 : i32
      scf.if %cond3A_268 {
        %add3A_279 = arith.constant 1 : i32
        %add3A_280 = arith.addi %scan3A_244, %add3A_279 : i32
        %div3A_281 = arith.constant 10 : i32
        %div3A_282 = arith.divsi %add3A_280, %div3A_281 : i32
        %add3A_283 = arith.constant 1 : i32
        %add3A_284 = arith.addi %scan3A_244, %add3A_283 : i32
        %rem3A_285 = arith.constant 10 : i32
        %rem3A_286 = arith.remsi %add3A_284, %rem3A_285 : i32
        %eq3A = arith.constant 0 : i32
        %eq3A_287 = arith.cmpi eq, %rem3A_286, %eq3A : i32
        %convert_element_type3A_288 = arith.extui %eq3A_287 : i1 to i32
        %cond3A_289 = arith.constant 0 : i32
        %cond3A_290 = arith.cmpi ne, %convert_element_type3A_288, %cond3A_289 : i32
        scf.if %cond3A_290 {
          %rem3A_472 = arith.constant 2 : i32
          %rem3A_473 = arith.remsi %div3A_282, %rem3A_472 : i32
          %dma_wait3A_474 = arith.constant 0 : i32
          %dma_wait3A_475 = arith.constant 0 : i32
          %dma_wait3A_476 = tpu.memref_slice %arg7[%rem3A_473, %dma_wait3A_474, %dma_wait3A_475] : memref<2x10x128xi32, #tpu.memory_space<vmem>> -> memref<1x10x128xi32, #tpu.memory_space<vmem>>
          %dma_wait3A_477 = tpu.memref_squeeze %dma_wait3A_476 : memref<1x10x128xi32, #tpu.memory_space<vmem>> -> memref<10x128xi32, #tpu.memory_space<vmem>>
          %dma_wait3A_478 = arith.constant 0 : i32
          %dma_wait3A_479 = arith.constant 0 : i32
          %dma_wait3A_480 = tpu.memref_slice %arg3[%add3A, %div3A_282, %dma_wait3A_478, %dma_wait3A_479] : memref<32x8x10x128xi32, #tpu.memory_space<hbm>> -> memref<1x1x10x128xi32, #tpu.memory_space<hbm>>
          %dma_wait3A_481 = tpu.memref_squeeze %dma_wait3A_480 : memref<1x1x10x128xi32, #tpu.memory_space<hbm>> -> memref<10x128xi32, #tpu.memory_space<hbm>>
          %dma_wait3A_482 = arith.constant 0 : i32
          %dma_wait3A_483 = arith.constant 0 : i32
          %dma_wait3A_484 = tpu.memref_slice %arg7[%rem3A_473, %dma_wait3A_482, %dma_wait3A_483] : memref<2x10x128xi32, #tpu.memory_space<vmem>> -> memref<1x10x128xi32, #tpu.memory_space<vmem>>
          %dma_wait3A_485 = tpu.memref_squeeze %dma_wait3A_484 : memref<1x10x128xi32, #tpu.memory_space<vmem>> -> memref<10x128xi32, #tpu.memory_space<vmem>>
          %dma_wait3A_486 = arith.constant 0 : i32
          %dma_wait3A_487 = arith.constant 0 : i32
          %dma_wait3A_488 = tpu.memref_slice %arg3[%add3A, %div3A_282, %dma_wait3A_486, %dma_wait3A_487] : memref<32x8x10x128xi32, #tpu.memory_space<hbm>> -> memref<1x1x10x128xi32, #tpu.memory_space<hbm>>
          %dma_wait3A_489 = tpu.memref_squeeze %dma_wait3A_488 : memref<1x1x10x128xi32, #tpu.memory_space<hbm>> -> memref<10x128xi32, #tpu.memory_space<hbm>>
          tpu.wait_dma2 semaphore(%arg15 : memref<!tpu.dma_semaphore, #tpu.memory_space<semaphore_mem>>) src(%dma_wait3A_489 : memref<10x128xi32, #tpu.memory_space<hbm>>) dst(%dma_wait3A_485 : memref<10x128xi32, #tpu.memory_space<vmem>>)
          %lt3A_490 = arith.constant 7 : i32
          %lt3A_491 = arith.cmpi slt, %div3A_282, %lt3A_490 : i32
          %convert_element_type3A_492 = arith.extui %lt3A_491 : i1 to i32
          %cond3A_493 = arith.constant 0 : i32
          %cond3A_494 = arith.cmpi ne, %convert_element_type3A_492, %cond3A_493 : i32
          scf.if %cond3A_494 {
            %add3A_495 = arith.constant 1 : i32
            %add3A_496 = arith.addi %div3A_282, %add3A_495 : i32
            %add3A_497 = arith.constant 1 : i32
            %add3A_498 = arith.addi %div3A_282, %add3A_497 : i32
            %rem3A_499 = arith.constant 2 : i32
            %rem3A_500 = arith.remsi %add3A_498, %rem3A_499 : i32
            %dma_start3A_501 = arith.constant 0 : i32
            %dma_start3A_502 = arith.constant 0 : i32
            %dma_start3A_503 = tpu.memref_slice %arg7[%rem3A_500, %dma_start3A_501, %dma_start3A_502] : memref<2x10x128xi32, #tpu.memory_space<vmem>> -> memref<1x10x128xi32, #tpu.memory_space<vmem>>
            %dma_start3A_504 = tpu.memref_squeeze %dma_start3A_503 : memref<1x10x128xi32, #tpu.memory_space<vmem>> -> memref<10x128xi32, #tpu.memory_space<vmem>>
            %dma_start3A_505 = arith.constant 0 : i32
            %dma_start3A_506 = arith.constant 0 : i32
            %dma_start3A_507 = tpu.memref_slice %arg3[%add3A, %add3A_496, %dma_start3A_505, %dma_start3A_506] : memref<32x8x10x128xi32, #tpu.memory_space<hbm>> -> memref<1x1x10x128xi32, #tpu.memory_space<hbm>>
            %dma_start3A_508 = tpu.memref_squeeze %dma_start3A_507 : memref<1x1x10x128xi32, #tpu.memory_space<hbm>> -> memref<10x128xi32, #tpu.memory_space<hbm>>
            %dma_start3A_509 = arith.constant 0 : i32
            %dma_start3A_510 = arith.constant 0 : i32
            %dma_start3A_511 = tpu.memref_slice %arg7[%rem3A_500, %dma_start3A_509, %dma_start3A_510] : memref<2x10x128xi32, #tpu.memory_space<vmem>> -> memref<1x10x128xi32, #tpu.memory_space<vmem>>
            %dma_start3A_512 = tpu.memref_squeeze %dma_start3A_511 : memref<1x10x128xi32, #tpu.memory_space<vmem>> -> memref<10x128xi32, #tpu.memory_space<vmem>>
            %dma_start3A_513 = arith.constant 0 : i32
            %dma_start3A_514 = arith.constant 0 : i32
            %dma_start3A_515 = tpu.memref_slice %arg3[%add3A, %add3A_496, %dma_start3A_513, %dma_start3A_514] : memref<32x8x10x128xi32, #tpu.memory_space<hbm>> -> memref<1x1x10x128xi32, #tpu.memory_space<hbm>>
            %dma_start3A_516 = tpu.memref_squeeze %dma_start3A_515 : memref<1x1x10x128xi32, #tpu.memory_space<hbm>> -> memref<10x128xi32, #tpu.memory_space<hbm>>
            tpu.enqueue_dma source(%dma_start3A_516 : memref<10x128xi32, #tpu.memory_space<hbm>>) target(%dma_start3A_512 : memref<10x128xi32, #tpu.memory_space<vmem>>) target_semaphore(%arg15 : memref<!tpu.dma_semaphore, #tpu.memory_space<semaphore_mem>>)
          } else {
          }
        } else {
        }
        %add3A_291 = arith.constant 1 : i32
        %add3A_292 = arith.addi %scan3A_244, %add3A_291 : i32
        %div3A_293 = arith.constant 10 : i32
        %div3A_294 = arith.divsi %add3A_292, %div3A_293 : i32
        %rem3A_295 = arith.constant 2 : i32
        %rem3A_296 = arith.remsi %div3A_294, %rem3A_295 : i32
        %rem3A_297 = arith.constant 10 : i32
        %rem3A_298 = arith.remsi %add3A_292, %rem3A_297 : i32
        %get3A_299 = arith.index_cast %rem3A_296 : i32 to index
        %get3A_300 = arith.index_cast %rem3A_298 : i32 to index
        %get3A_301 = arith.constant 0 : index
        %get3A_302 = tpu.vector_load %arg7[%get3A_299, %get3A_300, %get3A_301] {strides = array<i32>} : memref<2x10x128xi32, #tpu.memory_space<vmem>>, vector<16xi32>,
        %shift_right_logical3A_303 = arith.constant 14 : i32
        %shift_right_logical3A_304 = vector.broadcast %shift_right_logical3A_303 : i32 to vector<16xi32>
        %shift_right_logical3A_305 = arith.shrui %get3A_302, %shift_right_logical3A_304 : vector<16xi32>
        %swap3A_306 = arith.index_cast %rem3A_250 : i32 to index
        %swap3A_307 = arith.constant 0 : index
        %swap3A_308 = tpu.vector_load %arg9[%swap3A_306, %swap3A_307] {strides = array<i32>} : memref<2x128xi32, #tpu.memory_space<vmem>>, vector<16xi32>,
        tpu.vector_store %arg9[%swap3A_306, %swap3A_307], %shift_right_logical3A_305 {strides = array<i32>} : memref<2x128xi32, #tpu.memory_space<vmem>>, vector<16xi32>,
        %and3A_309 = vector.broadcast %scan3A_222 : i32 to vector<16xi32>
        %and3A_310 = arith.andi %get3A_302, %and3A_309 : vector<16xi32>
        %swap3A_311 = arith.index_cast %rem3A_250 : i32 to index
        %swap3A_312 = arith.constant 0 : index
        %swap3A_313 = tpu.vector_load %arg8[%swap3A_311, %swap3A_312] {strides = array<i32>} : memref<2x128xi32, #tpu.memory_space<vmem>>, vector<16xi32>,
        tpu.vector_store %arg8[%swap3A_311, %swap3A_312], %and3A_310 {strides = array<i32>} : memref<2x128xi32, #tpu.memory_space<vmem>>, vector<16xi32>,
        %broadcast_in_dim3A_314 = arith.constant true
        %broadcast_in_dim3A_315 = vector.broadcast %broadcast_in_dim3A_314 : i1 to vector<16xi1>
        %unique3A_316, %unique3A_317 = tpu.scan_count mask(%broadcast_in_dim3A_315 : vector<16xi1>) value(%shift_right_logical3A_305 : vector<16xi32>) : vector<16xi1>, vector<16xi32>
        %convert_element_type3A_318 = arith.sitofp %unique3A_317 : vector<16xi32> to vector<16xf32>
        tpu.vector_store_idx %arg11[%shift_right_logical3A_305], %convert_element_type3A_318 masked %unique3A_316 {add = true} : memref<10240xf32, #tpu.memory_space<vmem>>[vector<16xi32>], vector<16xf32>, vector<16xi1>
        %get3A_319 = arith.index_cast %rem3A_296 : i32 to index
        %get3A_320 = arith.index_cast %rem3A_298 : i32 to index
        %get3A_321 = arith.constant 16 : index
        %get3A_322 = tpu.vector_load %arg7[%get3A_319, %get3A_320, %get3A_321] {strides = array<i32>} : memref<2x10x128xi32, #tpu.memory_space<vmem>>, vector<16xi32>,
        %shift_right_logical3A_323 = arith.constant 14 : i32
        %shift_right_logical3A_324 = vector.broadcast %shift_right_logical3A_323 : i32 to vector<16xi32>
        %shift_right_logical3A_325 = arith.shrui %get3A_322, %shift_right_logical3A_324 : vector<16xi32>
        %swap3A_326 = arith.index_cast %rem3A_250 : i32 to index
        %swap3A_327 = arith.constant 16 : index
        %swap3A_328 = tpu.vector_load %arg9[%swap3A_326, %swap3A_327] {strides = array<i32>} : memref<2x128xi32, #tpu.memory_space<vmem>>, vector<16xi32>,
        tpu.vector_store %arg9[%swap3A_326, %swap3A_327], %shift_right_logical3A_325 {strides = array<i32>} : memref<2x128xi32, #tpu.memory_space<vmem>>, vector<16xi32>,
        %and3A_329 = vector.broadcast %scan3A_222 : i32 to vector<16xi32>
        %and3A_330 = arith.andi %get3A_322, %and3A_329 : vector<16xi32>
        %swap3A_331 = arith.index_cast %rem3A_250 : i32 to index
        %swap3A_332 = arith.constant 16 : index
        %swap3A_333 = tpu.vector_load %arg8[%swap3A_331, %swap3A_332] {strides = array<i32>} : memref<2x128xi32, #tpu.memory_space<vmem>>, vector<16xi32>,
        tpu.vector_store %arg8[%swap3A_331, %swap3A_332], %and3A_330 {strides = array<i32>} : memref<2x128xi32, #tpu.memory_space<vmem>>, vector<16xi32>,
        %broadcast_in_dim3A_334 = arith.constant true
        %broadcast_in_dim3A_335 = vector.broadcast %broadcast_in_dim3A_334 : i1 to vector<16xi1>
        %unique3A_336, %unique3A_337 = tpu.scan_count mask(%broadcast_in_dim3A_335 : vector<16xi1>) value(%shift_right_logical3A_325 : vector<16xi32>) : vector<16xi1>, vector<16xi32>
        %convert_element_type3A_338 = arith.sitofp %unique3A_337 : vector<16xi32> to vector<16xf32>
        tpu.vector_store_idx %arg11[%shift_right_logical3A_325], %convert_element_type3A_338 masked %unique3A_336 {add = true} : memref<10240xf32, #tpu.memory_space<vmem>>[vector<16xi32>], vector<16xf32>, vector<16xi1>
        %get3A_339 = arith.index_cast %rem3A_296 : i32 to index
        %get3A_340 = arith.index_cast %rem3A_298 : i32 to index
        %get3A_341 = arith.constant 32 : index
        %get3A_342 = tpu.vector_load %arg7[%get3A_339, %get3A_340, %get3A_341] {strides = array<i32>} : memref<2x10x128xi32, #tpu.memory_space<vmem>>, vector<16xi32>,
        %shift_right_logical3A_343 = arith.constant 14 : i32
        %shift_right_logical3A_344 = vector.broadcast %shift_right_logical3A_343 : i32 to vector<16xi32>
        %shift_right_logical3A_345 = arith.shrui %get3A_342, %shift_right_logical3A_344 : vector<16xi32>
        %swap3A_346 = arith.index_cast %rem3A_250 : i32 to index
        %swap3A_347 = arith.constant 32 : index
        %swap3A_348 = tpu.vector_load %arg9[%swap3A_346, %swap3A_347] {strides = array<i32>} : memref<2x128xi32, #tpu.memory_space<vmem>>, vector<16xi32>,
        tpu.vector_store %arg9[%swap3A_346, %swap3A_347], %shift_right_logical3A_345 {strides = array<i32>} : memref<2x128xi32, #tpu.memory_space<vmem>>, vector<16xi32>,
        %and3A_349 = vector.broadcast %scan3A_222 : i32 to vector<16xi32>
        %and3A_350 = arith.andi %get3A_342, %and3A_349 : vector<16xi32>
        %swap3A_351 = arith.index_cast %rem3A_250 : i32 to index
        %swap3A_352 = arith.constant 32 : index
        %swap3A_353 = tpu.vector_load %arg8[%swap3A_351, %swap3A_352] {strides = array<i32>} : memref<2x128xi32, #tpu.memory_space<vmem>>, vector<16xi32>,
        tpu.vector_store %arg8[%swap3A_351, %swap3A_352], %and3A_350 {strides = array<i32>} : memref<2x128xi32, #tpu.memory_space<vmem>>, vector<16xi32>,
        %broadcast_in_dim3A_354 = arith.constant true
        %broadcast_in_dim3A_355 = vector.broadcast %broadcast_in_dim3A_354 : i1 to vector<16xi1>
        %unique3A_356, %unique3A_357 = tpu.scan_count mask(%broadcast_in_dim3A_355 : vector<16xi1>) value(%shift_right_logical3A_345 : vector<16xi32>) : vector<16xi1>, vector<16xi32>
        %convert_element_type3A_358 = arith.sitofp %unique3A_357 : vector<16xi32> to vector<16xf32>
        tpu.vector_store_idx %arg11[%shift_right_logical3A_345], %convert_element_type3A_358 masked %unique3A_356 {add = true} : memref<10240xf32, #tpu.memory_space<vmem>>[vector<16xi32>], vector<16xf32>, vector<16xi1>
        %get3A_359 = arith.index_cast %rem3A_296 : i32 to index
        %get3A_360 = arith.index_cast %rem3A_298 : i32 to index
        %get3A_361 = arith.constant 48 : index
        %get3A_362 = tpu.vector_load %arg7[%get3A_359, %get3A_360, %get3A_361] {strides = array<i32>} : memref<2x10x128xi32, #tpu.memory_space<vmem>>, vector<16xi32>,
        %shift_right_logical3A_363 = arith.constant 14 : i32
        %shift_right_logical3A_364 = vector.broadcast %shift_right_logical3A_363 : i32 to vector<16xi32>
        %shift_right_logical3A_365 = arith.shrui %get3A_362, %shift_right_logical3A_364 : vector<16xi32>
        %swap3A_366 = arith.index_cast %rem3A_250 : i32 to index
        %swap3A_367 = arith.constant 48 : index
        %swap3A_368 = tpu.vector_load %arg9[%swap3A_366, %swap3A_367] {strides = array<i32>} : memref<2x128xi32, #tpu.memory_space<vmem>>, vector<16xi32>,
        tpu.vector_store %arg9[%swap3A_366, %swap3A_367], %shift_right_logical3A_365 {strides = array<i32>} : memref<2x128xi32, #tpu.memory_space<vmem>>, vector<16xi32>,
        %and3A_369 = vector.broadcast %scan3A_222 : i32 to vector<16xi32>
        %and3A_370 = arith.andi %get3A_362, %and3A_369 : vector<16xi32>
        %swap3A_371 = arith.index_cast %rem3A_250 : i32 to index
        %swap3A_372 = arith.constant 48 : index
        %swap3A_373 = tpu.vector_load %arg8[%swap3A_371, %swap3A_372] {strides = array<i32>} : memref<2x128xi32, #tpu.memory_space<vmem>>, vector<16xi32>,
        tpu.vector_store %arg8[%swap3A_371, %swap3A_372], %and3A_370 {strides = array<i32>} : memref<2x128xi32, #tpu.memory_space<vmem>>, vector<16xi32>,
        %broadcast_in_dim3A_374 = arith.constant true
        %broadcast_in_dim3A_375 = vector.broadcast %broadcast_in_dim3A_374 : i1 to vector<16xi1>
        %unique3A_376, %unique3A_377 = tpu.scan_count mask(%broadcast_in_dim3A_375 : vector<16xi1>) value(%shift_right_logical3A_365 : vector<16xi32>) : vector<16xi1>, vector<16xi32>
        %convert_element_type3A_378 = arith.sitofp %unique3A_377 : vector<16xi32> to vector<16xf32>
        tpu.vector_store_idx %arg11[%shift_right_logical3A_365], %convert_element_type3A_378 masked %unique3A_376 {add = true} : memref<10240xf32, #tpu.memory_space<vmem>>[vector<16xi32>], vector<16xf32>, vector<16xi1>
        %get3A_379 = arith.index_cast %rem3A_296 : i32 to index
        %get3A_380 = arith.index_cast %rem3A_298 : i32 to index
        %get3A_381 = arith.constant 64 : index
        %get3A_382 = tpu.vector_load %arg7[%get3A_379, %get3A_380, %get3A_381] {strides = array<i32>} : memref<2x10x128xi32, #tpu.memory_space<vmem>>, vector<16xi32>,
        %shift_right_logical3A_383 = arith.constant 14 : i32
        %shift_right_logical3A_384 = vector.broadcast %shift_right_logical3A_383 : i32 to vector<16xi32>
        %shift_right_logical3A_385 = arith.shrui %get3A_382, %shift_right_logical3A_384 : vector<16xi32>
        %swap3A_386 = arith.index_cast %rem3A_250 : i32 to index
        %swap3A_387 = arith.constant 64 : index
        %swap3A_388 = tpu.vector_load %arg9[%swap3A_386, %swap3A_387] {strides = array<i32>} : memref<2x128xi32, #tpu.memory_space<vmem>>, vector<16xi32>,
        tpu.vector_store %arg9[%swap3A_386, %swap3A_387], %shift_right_logical3A_385 {strides = array<i32>} : memref<2x128xi32, #tpu.memory_space<vmem>>, vector<16xi32>,
        %and3A_389 = vector.broadcast %scan3A_222 : i32 to vector<16xi32>
        %and3A_390 = arith.andi %get3A_382, %and3A_389 : vector<16xi32>
        %swap3A_391 = arith.index_cast %rem3A_250 : i32 to index
        %swap3A_392 = arith.constant 64 : index
        %swap3A_393 = tpu.vector_load %arg8[%swap3A_391, %swap3A_392] {strides = array<i32>} : memref<2x128xi32, #tpu.memory_space<vmem>>, vector<16xi32>,
        tpu.vector_store %arg8[%swap3A_391, %swap3A_392], %and3A_390 {strides = array<i32>} : memref<2x128xi32, #tpu.memory_space<vmem>>, vector<16xi32>,
        %broadcast_in_dim3A_394 = arith.constant true
        %broadcast_in_dim3A_395 = vector.broadcast %broadcast_in_dim3A_394 : i1 to vector<16xi1>
        %unique3A_396, %unique3A_397 = tpu.scan_count mask(%broadcast_in_dim3A_395 : vector<16xi1>) value(%shift_right_logical3A_385 : vector<16xi32>) : vector<16xi1>, vector<16xi32>
        %convert_element_type3A_398 = arith.sitofp %unique3A_397 : vector<16xi32> to vector<16xf32>
        tpu.vector_store_idx %arg11[%shift_right_logical3A_385], %convert_element_type3A_398 masked %unique3A_396 {add = true} : memref<10240xf32, #tpu.memory_space<vmem>>[vector<16xi32>], vector<16xf32>, vector<16xi1>
        %get3A_399 = arith.index_cast %rem3A_296 : i32 to index
        %get3A_400 = arith.index_cast %rem3A_298 : i32 to index
        %get3A_401 = arith.constant 80 : index
        %get3A_402 = tpu.vector_load %arg7[%get3A_399, %get3A_400, %get3A_401] {strides = array<i32>} : memref<2x10x128xi32, #tpu.memory_space<vmem>>, vector<16xi32>,
        %shift_right_logical3A_403 = arith.constant 14 : i32
        %shift_right_logical3A_404 = vector.broadcast %shift_right_logical3A_403 : i32 to vector<16xi32>
        %shift_right_logical3A_405 = arith.shrui %get3A_402, %shift_right_logical3A_404 : vector<16xi32>
        %swap3A_406 = arith.index_cast %rem3A_250 : i32 to index
        %swap3A_407 = arith.constant 80 : index
        %swap3A_408 = tpu.vector_load %arg9[%swap3A_406, %swap3A_407] {strides = array<i32>} : memref<2x128xi32, #tpu.memory_space<vmem>>, vector<16xi32>,
        tpu.vector_store %arg9[%swap3A_406, %swap3A_407], %shift_right_logical3A_405 {strides = array<i32>} : memref<2x128xi32, #tpu.memory_space<vmem>>, vector<16xi32>,
        %and3A_409 = vector.broadcast %scan3A_222 : i32 to vector<16xi32>
        %and3A_410 = arith.andi %get3A_402, %and3A_409 : vector<16xi32>
        %swap3A_411 = arith.index_cast %rem3A_250 : i32 to index
        %swap3A_412 = arith.constant 80 : index
        %swap3A_413 = tpu.vector_load %arg8[%swap3A_411, %swap3A_412] {strides = array<i32>} : memref<2x128xi32, #tpu.memory_space<vmem>>, vector<16xi32>,
        tpu.vector_store %arg8[%swap3A_411, %swap3A_412], %and3A_410 {strides = array<i32>} : memref<2x128xi32, #tpu.memory_space<vmem>>, vector<16xi32>,
        %broadcast_in_dim3A_414 = arith.constant true
        %broadcast_in_dim3A_415 = vector.broadcast %broadcast_in_dim3A_414 : i1 to vector<16xi1>
        %unique3A_416, %unique3A_417 = tpu.scan_count mask(%broadcast_in_dim3A_415 : vector<16xi1>) value(%shift_right_logical3A_405 : vector<16xi32>) : vector<16xi1>, vector<16xi32>
        %convert_element_type3A_418 = arith.sitofp %unique3A_417 : vector<16xi32> to vector<16xf32>
        tpu.vector_store_idx %arg11[%shift_right_logical3A_405], %convert_element_type3A_418 masked %unique3A_416 {add = true} : memref<10240xf32, #tpu.memory_space<vmem>>[vector<16xi32>], vector<16xf32>, vector<16xi1>
        %get3A_419 = arith.index_cast %rem3A_296 : i32 to index
        %get3A_420 = arith.index_cast %rem3A_298 : i32 to index
        %get3A_421 = arith.constant 96 : index
        %get3A_422 = tpu.vector_load %arg7[%get3A_419, %get3A_420, %get3A_421] {strides = array<i32>} : memref<2x10x128xi32, #tpu.memory_space<vmem>>, vector<16xi32>,
        %shift_right_logical3A_423 = arith.constant 14 : i32
        %shift_right_logical3A_424 = vector.broadcast %shift_right_logical3A_423 : i32 to vector<16xi32>
        %shift_right_logical3A_425 = arith.shrui %get3A_422, %shift_right_logical3A_424 : vector<16xi32>
        %swap3A_426 = arith.index_cast %rem3A_250 : i32 to index
        %swap3A_427 = arith.constant 96 : index
        %swap3A_428 = tpu.vector_load %arg9[%swap3A_426, %swap3A_427] {strides = array<i32>} : memref<2x128xi32, #tpu.memory_space<vmem>>, vector<16xi32>,
        tpu.vector_store %arg9[%swap3A_426, %swap3A_427], %shift_right_logical3A_425 {strides = array<i32>} : memref<2x128xi32, #tpu.memory_space<vmem>>, vector<16xi32>,
        %and3A_429 = vector.broadcast %scan3A_222 : i32 to vector<16xi32>
        %and3A_430 = arith.andi %get3A_422, %and3A_429 : vector<16xi32>
        %swap3A_431 = arith.index_cast %rem3A_250 : i32 to index
        %swap3A_432 = arith.constant 96 : index
        %swap3A_433 = tpu.vector_load %arg8[%swap3A_431, %swap3A_432] {strides = array<i32>} : memref<2x128xi32, #tpu.memory_space<vmem>>, vector<16xi32>,
        tpu.vector_store %arg8[%swap3A_431, %swap3A_432], %and3A_430 {strides = array<i32>} : memref<2x128xi32, #tpu.memory_space<vmem>>, vector<16xi32>,
        %broadcast_in_dim3A_434 = arith.constant true
        %broadcast_in_dim3A_435 = vector.broadcast %broadcast_in_dim3A_434 : i1 to vector<16xi1>
        %unique3A_436, %unique3A_437 = tpu.scan_count mask(%broadcast_in_dim3A_435 : vector<16xi1>) value(%shift_right_logical3A_425 : vector<16xi32>) : vector<16xi1>, vector<16xi32>
        %convert_element_type3A_438 = arith.sitofp %unique3A_437 : vector<16xi32> to vector<16xf32>
        tpu.vector_store_idx %arg11[%shift_right_logical3A_425], %convert_element_type3A_438 masked %unique3A_436 {add = true} : memref<10240xf32, #tpu.memory_space<vmem>>[vector<16xi32>], vector<16xf32>, vector<16xi1>
        %get3A_439 = arith.index_cast %rem3A_296 : i32 to index
        %get3A_440 = arith.index_cast %rem3A_298 : i32 to index
        %get3A_441 = arith.constant 112 : index
        %get3A_442 = tpu.vector_load %arg7[%get3A_439, %get3A_440, %get3A_441] {strides = array<i32>} : memref<2x10x128xi32, #tpu.memory_space<vmem>>, vector<16xi32>,
        %shift_right_logical3A_443 = arith.constant 14 : i32
        %shift_right_logical3A_444 = vector.broadcast %shift_right_logical3A_443 : i32 to vector<16xi32>
        %shift_right_logical3A_445 = arith.shrui %get3A_442, %shift_right_logical3A_444 : vector<16xi32>
        %swap3A_446 = arith.index_cast %rem3A_250 : i32 to index
        %swap3A_447 = arith.constant 112 : index
        %swap3A_448 = tpu.vector_load %arg9[%swap3A_446, %swap3A_447] {strides = array<i32>} : memref<2x128xi32, #tpu.memory_space<vmem>>, vector<16xi32>,
        tpu.vector_store %arg9[%swap3A_446, %swap3A_447], %shift_right_logical3A_445 {strides = array<i32>} : memref<2x128xi32, #tpu.memory_space<vmem>>, vector<16xi32>,
        %and3A_449 = vector.broadcast %scan3A_222 : i32 to vector<16xi32>
        %and3A_450 = arith.andi %get3A_442, %and3A_449 : vector<16xi32>
        %swap3A_451 = arith.index_cast %rem3A_250 : i32 to index
        %swap3A_452 = arith.constant 112 : index
        %swap3A_453 = tpu.vector_load %arg8[%swap3A_451, %swap3A_452] {strides = array<i32>} : memref<2x128xi32, #tpu.memory_space<vmem>>, vector<16xi32>,
        tpu.vector_store %arg8[%swap3A_451, %swap3A_452], %and3A_450 {strides = array<i32>} : memref<2x128xi32, #tpu.memory_space<vmem>>, vector<16xi32>,
        %broadcast_in_dim3A_454 = arith.constant true
        %broadcast_in_dim3A_455 = vector.broadcast %broadcast_in_dim3A_454 : i1 to vector<16xi1>
        %unique3A_456, %unique3A_457 = tpu.scan_count mask(%broadcast_in_dim3A_455 : vector<16xi1>) value(%shift_right_logical3A_445 : vector<16xi32>) : vector<16xi1>, vector<16xi32>
        %convert_element_type3A_458 = arith.sitofp %unique3A_457 : vector<16xi32> to vector<16xf32>
        tpu.vector_store_idx %arg11[%shift_right_logical3A_445], %convert_element_type3A_458 masked %unique3A_456 {add = true} : memref<10240xf32, #tpu.memory_space<vmem>>[vector<16xi32>], vector<16xf32>, vector<16xi1>
        %add3A_459 = arith.constant 1 : i32
        %add3A_460 = arith.addi %scan3A_244, %add3A_459 : i32
        %dma_start3A_461 = arith.constant 0 : i32
        %dma_start3A_462 = arith.constant 0 : i32
        %dma_start3A_463 = arith.constant 0 : i32
        %dma_start3A_464 = tpu.memref_slice %arg10[%rem3A_250, %dma_start3A_462, %dma_start3A_463] : memref<2x128x128xf32, #tpu.memory_space<vmem>> -> memref<1x128x128xf32, #tpu.memory_space<vmem>>
        %dma_start3A_465 = tpu.memref_squeeze %dma_start3A_464 : memref<1x128x128xf32, #tpu.memory_space<vmem>> -> memref<128x128xf32, #tpu.memory_space<vmem>>
        %dma_start3A_466 = arith.constant 0 : i32
        %dma_start3A_467 = tpu.memref_slice %arg8[%dma_start3A_461, %dma_start3A_466] : memref<2x128xi32, #tpu.memory_space<vmem>> -> memref<1x128xi32, #tpu.memory_space<vmem>>
        %dma_start3A_468 = tpu.memref_squeeze %dma_start3A_467 : memref<1x128xi32, #tpu.memory_space<vmem>> -> memref<128xi32, #tpu.memory_space<vmem>>
        %dma_start3A_469 = arith.constant 0 : i32
        %dma_start3A_470 = arith.constant 0 : i32
        %dma_start3A_471 = tpu.memref_slice %arg2[%dma_start3A_469, %dma_start3A_470] : memref<10000x128xf32, #tpu.memory_space<hbm>> -> memref<10000x128xf32, #tpu.memory_space<hbm>>
        tpu.enqueue_indirect_dma source(%dma_start3A_471 : memref<10000x128xf32, #tpu.memory_space<hbm>>) target(%dma_start3A_465 : memref<128x128xf32, #tpu.memory_space<vmem>>) offsets(%dma_start3A_468 : memref<128xi32, #tpu.memory_space<vmem>>) semaphore(%arg13 : memref<!tpu.dma_semaphore, #tpu.memory_space<semaphore_mem>>)
      } else {
      }
      %dma_start3A_269 = arith.constant 0 : i32
      %dma_start3A_270 = arith.constant 0 : i32
      %dma_start3A_271 = tpu.memref_slice %arg10[%rem3A_246, %dma_start3A_269, %dma_start3A_270] : memref<2x128x128xf32, #tpu.memory_space<vmem>> -> memref<1x128x128xf32, #tpu.memory_space<vmem>>
      %dma_start3A_272 = tpu.memref_squeeze %dma_start3A_271 : memref<1x128x128xf32, #tpu.memory_space<vmem>> -> memref<128x128xf32, #tpu.memory_space<vmem>>
      %dma_start3A_273 = arith.constant 0 : i32
      %dma_start3A_274 = tpu.memref_slice %arg9[%rem3A_246, %dma_start3A_273] : memref<2x128xi32, #tpu.memory_space<vmem>> -> memref<1x128xi32, #tpu.memory_space<vmem>>
      %dma_start3A_275 = tpu.memref_squeeze %dma_start3A_274 : memref<1x128xi32, #tpu.memory_space<vmem>> -> memref<128xi32, #tpu.memory_space<vmem>>
      %dma_start3A_276 = arith.constant 0 : i32
      %dma_start3A_277 = arith.constant 0 : i32
      %dma_start3A_278 = tpu.memref_slice %arg12[%dma_start3A_276, %dma_start3A_277] : memref<10240x128xf32, #tpu.memory_space<vmem_shared>> -> memref<10240x128xf32, #tpu.memory_space<vmem_shared>>
      tpu.enqueue_indirect_dma source(%dma_start3A_272 : memref<128x128xf32, #tpu.memory_space<vmem>>) target(%dma_start3A_278 : memref<10240x128xf32, #tpu.memory_space<vmem_shared>>) offsets(%dma_start3A_275 : memref<128xi32, #tpu.memory_space<vmem>>) semaphore(%arg14 : memref<!tpu.dma_semaphore, #tpu.memory_space<semaphore_mem>>) {add = true}
    }
    %scan3A_227 = arith.constant 80 : i32
    %dma_wait3A = arith.constant 1 : i32
    %dma_wait3A_228 = arith.constant 1 : i32
    %dma_wait3A_229 = arith.constant 0 : i32
    %dma_wait3A_230 = arith.constant 0 : i32
    %dma_wait3A_231 = tpu.memref_slice %arg10[%dma_wait3A, %dma_wait3A_229, %dma_wait3A_230] : memref<2x128x128xf32, #tpu.memory_space<vmem>> -> memref<1x128x128xf32, #tpu.memory_space<vmem>>
    %dma_wait3A_232 = tpu.memref_squeeze %dma_wait3A_231 : memref<1x128x128xf32, #tpu.memory_space<vmem>> -> memref<128x128xf32, #tpu.memory_space<vmem>>
    %dma_wait3A_233 = arith.constant 0 : i32
    %dma_wait3A_234 = tpu.memref_slice %arg9[%dma_wait3A_228, %dma_wait3A_233] : memref<2x128xi32, #tpu.memory_space<vmem>> -> memref<1x128xi32, #tpu.memory_space<vmem>>
    %dma_wait3A_235 = tpu.memref_squeeze %dma_wait3A_234 : memref<1x128xi32, #tpu.memory_space<vmem>> -> memref<128xi32, #tpu.memory_space<vmem>>
    %dma_wait3A_236 = arith.constant 0 : i32
    %dma_wait3A_237 = arith.constant 0 : i32
    %dma_wait3A_238 = tpu.memref_slice %arg12[%dma_wait3A_236, %dma_wait3A_237] : memref<10240x128xf32, #tpu.memory_space<vmem_shared>> -> memref<10240x128xf32, #tpu.memory_space<vmem_shared>>
    tpu.wait_indirect_dma semaphore(%arg14 : memref<!tpu.dma_semaphore, #tpu.memory_space<semaphore_mem>>) src(%dma_wait3A_232 : memref<128x128xf32, #tpu.memory_space<vmem>>) dst(%dma_wait3A_238 : memref<10240x128xf32, #tpu.memory_space<vmem_shared>>)
    %barrier3A_239 = arith.constant 0 : index
    tpu.barrier barrier_id(%barrier3A_239)
    %mul3A_240 = arith.constant 640 : i32
    %mul3A_241 = arith.muli %arg1, %mul3A_240 : i32
    %mul3A_242 = arith.constant 640 : i32
    %mul3A_243 = arith.muli %arg1, %mul3A_242 : i32
    "tpu.region"() ({
      %run_scoped3A_244 = tpu.sem_alloc : memref<!tpu.dma_semaphore, #tpu.memory_space<semaphore_mem>>
      %dma_start3A_245 = arith.constant 0 : i32
      %dma_start3A_246 = tpu.memref_slice %arg5[%arg0, %mul3A_243, %dma_start3A_245] : memref<2x10240x128xf32, #tpu.memory_space<hbm>> -> memref<1x640x128xf32, #tpu.memory_space<hbm>>
      %dma_start3A_247 = tpu.memref_squeeze %dma_start3A_246 : memref<1x640x128xf32, #tpu.memory_space<hbm>> -> memref<640x128xf32, #tpu.memory_space<hbm>>
      %dma_start3A_248 = arith.constant 0 : i32
      %dma_start3A_249 = tpu.memref_slice %arg12[%mul3A_241, %dma_start3A_248] : memref<10240x128xf32, #tpu.memory_space<vmem_shared>> -> memref<640x128xf32, #tpu.memory_space<vmem_shared>>
      tpu.enqueue_dma source(%dma_start3A_249 : memref<640x128xf32, #tpu.memory_space<vmem_shared>>) target(%dma_start3A_247 : memref<640x128xf32, #tpu.memory_space<hbm>>) target_semaphore(%run_scoped3A_244 : memref<!tpu.dma_semaphore, #tpu.memory_space<semaphore_mem>>)
      %dma_wait3A_250 = arith.constant 0 : i32
      %dma_wait3A_251 = tpu.memref_slice %arg5[%arg0, %mul3A_243, %dma_wait3A_250] : memref<2x10240x128xf32, #tpu.memory_space<hbm>> -> memref<1x640x128xf32, #tpu.memory_space<hbm>>
      %dma_wait3A_252 = tpu.memref_squeeze %dma_wait3A_251 : memref<1x640x128xf32, #tpu.memory_space<hbm>> -> memref<640x128xf32, #tpu.memory_space<hbm>>
      %dma_wait3A_253 = arith.constant 0 : i32
      %dma_wait3A_254 = tpu.memref_slice %arg12[%mul3A_241, %dma_wait3A_253] : memref<10240x128xf32, #tpu.memory_space<vmem_shared>> -> memref<640x128xf32, #tpu.memory_space<vmem_shared>>
      tpu.wait_dma2 semaphore(%run_scoped3A_244 : memref<!tpu.dma_semaphore, #tpu.memory_space<semaphore_mem>>) src(%dma_wait3A_254 : memref<640x128xf32, #tpu.memory_space<vmem_shared>>) dst(%dma_wait3A_252 : memref<640x128xf32, #tpu.memory_space<hbm>>)
      tpu.yield
    }) : () -> ()
    "tpu.region"() ({
      %run_scoped3A_244 = tpu.sem_alloc : memref<!tpu.dma_semaphore, #tpu.memory_space<semaphore_mem>>
      %dma_start3A_245 = arith.constant 0 : i32
      %dma_start3A_246 = tpu.memref_slice %arg6[%add3A, %dma_start3A_245] : memref<32x10240xf32, #tpu.memory_space<hbm>> -> memref<1x10240xf32, #tpu.memory_space<hbm>>
      %dma_start3A_247 = tpu.memref_squeeze %dma_start3A_246 : memref<1x10240xf32, #tpu.memory_space<hbm>> -> memref<10240xf32, #tpu.memory_space<hbm>>
      %dma_start3A_248 = arith.constant 0 : i32
      %dma_start3A_249 = tpu.memref_slice %arg6[%add3A, %dma_start3A_248] : memref<32x10240xf32, #tpu.memory_space<hbm>> -> memref<1x10240xf32, #tpu.memory_space<hbm>>
      %dma_start3A_250 = tpu.memref_squeeze %dma_start3A_249 : memref<1x10240xf32, #tpu.memory_space<hbm>> -> memref<10240xf32, #tpu.memory_space<hbm>>
      tpu.enqueue_dma source(%arg11 : memref<10240xf32, #tpu.memory_space<vmem>>) target(%dma_start3A_250 : memref<10240xf32, #tpu.memory_space<hbm>>) target_semaphore(%run_scoped3A_244 : memref<!tpu.dma_semaphore, #tpu.memory_space<semaphore_mem>>)
      %dma_wait3A_251 = arith.constant 0 : i32
      %dma_wait3A_252 = tpu.memref_slice %arg6[%add3A, %dma_wait3A_251] : memref<32x10240xf32, #tpu.memory_space<hbm>> -> memref<1x10240xf32, #tpu.memory_space<hbm>>
      %dma_wait3A_253 = tpu.memref_squeeze %dma_wait3A_252 : memref<1x10240xf32, #tpu.memory_space<hbm>> -> memref<10240xf32, #tpu.memory_space<hbm>>
      %dma_wait3A_254 = arith.constant 0 : i32
      %dma_wait3A_255 = tpu.memref_slice %arg6[%add3A, %dma_wait3A_254] : memref<32x10240xf32, #tpu.memory_space<hbm>> -> memref<1x10240xf32, #tpu.memory_space<hbm>>
      %dma_wait3A_256 = tpu.memref_squeeze %dma_wait3A_255 : memref<1x10240xf32, #tpu.memory_space<hbm>> -> memref<10240xf32, #tpu.memory_space<hbm>>
      tpu.wait_dma2 semaphore(%run_scoped3A_244 : memref<!tpu.dma_semaphore, #tpu.memory_space<semaphore_mem>>) src(%arg11 : memref<10240xf32, #tpu.memory_space<vmem>>) dst(%dma_wait3A_256 : memref<10240xf32, #tpu.memory_space<hbm>>)
      tpu.yield
    }) : () -> ()
    return
  }
}

module attributes {stable_mosaic.version = 14 : i64} {
  func.func @_tc_body(%arg0: i32, %arg1: memref<2x1000x128xf32, #tpu.memory_space<vmem>>, %arg2: memref<1000x32xf32, #tpu.memory_space<vmem>>, %arg3: memref<1000x128xf32, #tpu.memory_space<vmem>>, %arg4: memref<256x128xf32, #tpu.memory_space<vmem>>, %arg5: memref<1x256xf32, #tpu.memory_space<vmem>>, %arg6: memref<256x128xf32, #tpu.memory_space<vmem>>, %arg7: memref<256x256xf32, #tpu.memory_space<vmem>>, %arg8: memref<1x256xf32, #tpu.memory_space<vmem>>, %arg9: memref<128x256xf32, #tpu.memory_space<vmem>>, %arg10: memref<1x128xf32, #tpu.memory_space<vmem>>, %arg11: memref<1000x128xf32, #tpu.memory_space<vmem>>) attributes {dimension_semantics = [#tpu.dimension_semantics<arbitrary>], iteration_bounds = array<i64: 10>, scalar_prefetch = 0 : i64, scratch_operands = 0 : i64, tpu.core_type = #tpu.core_type<tc>, window_params = [{transform_indices = @transform_0, window_bounds = array<i64: 2, 1000, 128>}, {transform_indices = @transform_1, window_bounds = array<i64: 1000, 32>}, {transform_indices = @transform_2, window_bounds = array<i64: 1000, 128>}, {pipeline_mode = #tpu.pipeline_mode<synchronous>, transform_indices = @transform_3, window_bounds = array<i64: 256, 128>}, {pipeline_mode = #tpu.pipeline_mode<synchronous>, transform_indices = @transform_4, window_bounds = array<i64: 1, 256>}, {pipeline_mode = #tpu.pipeline_mode<synchronous>, transform_indices = @transform_5, window_bounds = array<i64: 256, 128>}, {pipeline_mode = #tpu.pipeline_mode<synchronous>, transform_indices = @transform_6, window_bounds = array<i64: 256, 256>}, {pipeline_mode = #tpu.pipeline_mode<synchronous>, transform_indices = @transform_7, window_bounds = array<i64: 1, 256>}, {pipeline_mode = #tpu.pipeline_mode<synchronous>, transform_indices = @transform_8, window_bounds = array<i64: 128, 256>}, {pipeline_mode = #tpu.pipeline_mode<synchronous>, transform_indices = @transform_9, window_bounds = array<i64: 1, 128>}, {transform_indices = @transform_10, window_bounds = array<i64: 1000, 128>}]} {
    %get3A = arith.constant 0 : index
    %get3A_0 = arith.constant 0 : index
    %get3A_1 = arith.constant 0 : index
    %get3A_2 = vector.load %arg1[%get3A, %get3A_0, %get3A_1] : memref<2x1000x128xf32, #tpu.memory_space<vmem>>, vector<1x1000x128xf32>
    %get3A_3 = vector.shape_cast %get3A_2 : vector<1x1000x128xf32> to vector<1000x128xf32>
    %get3A_4 = arith.constant 1 : index
    %get3A_5 = arith.constant 0 : index
    %get3A_6 = arith.constant 0 : index
    %get3A_7 = vector.load %arg1[%get3A_4, %get3A_5, %get3A_6] : memref<2x1000x128xf32, #tpu.memory_space<vmem>>, vector<1x1000x128xf32>
    %get3A_8 = vector.shape_cast %get3A_7 : vector<1x1000x128xf32> to vector<1000x128xf32>
    %add3A = arith.addf %get3A_3, %get3A_8 : vector<1000x128xf32>
    %get3A_9 = arith.constant 0 : index
    %get3A_10 = arith.constant 0 : index
    %get3A_11 = vector.load %arg2[%get3A_9, %get3A_10] : memref<1000x32xf32, #tpu.memory_space<vmem>>, vector<1000x32xf32>
    %reduce_sum3A = arith.constant dense<0.000000e+00> : vector<1000xf32>
    %reduce_sum3A_12 = vector.multi_reduction <add>, %get3A_11, %reduce_sum3A [1] : vector<1000x32xf32> to vector<1000xf32>
    %broadcast_in_dim3A = vector.shape_cast %reduce_sum3A_12 : vector<1000xf32> to vector<1000x1xf32>
    %max3A = arith.constant 1.000000e+00 : f32
    %max3A_13 = vector.broadcast %max3A : f32 to vector<1000x1xf32>
    %max3A_14 = arith.maximumf %broadcast_in_dim3A, %max3A_13 : vector<1000x1xf32>
    %div3A = vector.broadcast %max3A_14 : vector<1000x1xf32> to vector<1000x128xf32>
    %div3A_15 = arith.divf %add3A, %div3A : vector<1000x128xf32>
    %get3A_16 = arith.constant 0 : index
    %get3A_17 = arith.constant 0 : index
    %get3A_18 = vector.load %arg4[%get3A_16, %get3A_17] : memref<256x128xf32, #tpu.memory_space<vmem>>, vector<256x128xf32>
    %dot_general3A = arith.constant dense<0.000000e+00> : vector<1000x256xf32>
    %dot_general3A_19 = tpu.matmul %div3A_15, %get3A_18, %dot_general3A {dimension_numbers = #tpu.dot_dimension_numbers<[1], [1], [0], [0], [0, 0, 1, 0], [], []>, transpose_lhs_hint = false} : vector<1000x128xf32>, vector<256x128xf32>, vector<1000x256xf32> -> vector<1000x256xf32>
    %get3A_20 = arith.constant 0 : index
    %get3A_21 = arith.constant 0 : index
    %get3A_22 = vector.load %arg3[%get3A_20, %get3A_21] : memref<1000x128xf32, #tpu.memory_space<vmem>>, vector<1000x128xf32>
    %get3A_23 = arith.constant 0 : index
    %get3A_24 = arith.constant 0 : index
    %get3A_25 = vector.load %arg6[%get3A_23, %get3A_24] : memref<256x128xf32, #tpu.memory_space<vmem>>, vector<256x128xf32>
    %dot_general3A_26 = arith.constant dense<0.000000e+00> : vector<1000x256xf32>
    %dot_general3A_27 = tpu.matmul %get3A_22, %get3A_25, %dot_general3A_26 {dimension_numbers = #tpu.dot_dimension_numbers<[1], [1], [0], [0], [0, 0, 1, 0], [], []>, transpose_lhs_hint = false} : vector<1000x128xf32>, vector<256x128xf32>, vector<1000x256xf32> -> vector<1000x256xf32>
    %add3A_28 = arith.addf %dot_general3A_19, %dot_general3A_27 : vector<1000x256xf32>
    %get3A_29 = arith.constant 0 : index
    %get3A_30 = arith.constant 0 : index
    %get3A_31 = vector.load %arg5[%get3A_29, %get3A_30] : memref<1x256xf32, #tpu.memory_space<vmem>>, vector<1x256xf32>
    %add3A_32 = vector.broadcast %get3A_31 : vector<1x256xf32> to vector<1000x256xf32>
    %add3A_33 = arith.addf %add3A_28, %add3A_32 : vector<1000x256xf32>
    %max3A_34 = arith.constant 0.000000e+00 : f32
    %max3A_35 = vector.broadcast %max3A_34 : f32 to vector<1000x256xf32>
    %max3A_36 = arith.maximumf %add3A_33, %max3A_35 : vector<1000x256xf32>
    %get3A_37 = arith.constant 0 : index
    %get3A_38 = arith.constant 0 : index
    %get3A_39 = vector.load %arg7[%get3A_37, %get3A_38] : memref<256x256xf32, #tpu.memory_space<vmem>>, vector<256x256xf32>
    %dot_general3A_40 = arith.constant dense<0.000000e+00> : vector<1000x256xf32>
    %dot_general3A_41 = tpu.matmul %max3A_36, %get3A_39, %dot_general3A_40 {dimension_numbers = #tpu.dot_dimension_numbers<[1], [1], [0], [0], [0, 0, 1, 0], [], []>, transpose_lhs_hint = false} : vector<1000x256xf32>, vector<256x256xf32>, vector<1000x256xf32> -> vector<1000x256xf32>
    %get3A_42 = arith.constant 0 : index
    %get3A_43 = arith.constant 0 : index
    %get3A_44 = vector.load %arg8[%get3A_42, %get3A_43] : memref<1x256xf32, #tpu.memory_space<vmem>>, vector<1x256xf32>
    %add3A_45 = vector.broadcast %get3A_44 : vector<1x256xf32> to vector<1000x256xf32>
    %add3A_46 = arith.addf %dot_general3A_41, %add3A_45 : vector<1000x256xf32>
    %max3A_47 = arith.constant 0.000000e+00 : f32
    %max3A_48 = vector.broadcast %max3A_47 : f32 to vector<1000x256xf32>
    %max3A_49 = arith.maximumf %add3A_46, %max3A_48 : vector<1000x256xf32>
    %get3A_50 = arith.constant 0 : index
    %get3A_51 = arith.constant 0 : index
    %get3A_52 = vector.load %arg9[%get3A_50, %get3A_51] : memref<128x256xf32, #tpu.memory_space<vmem>>, vector<128x256xf32>
    %dot_general3A_53 = arith.constant dense<0.000000e+00> : vector<1000x128xf32>
    %dot_general3A_54 = tpu.matmul %max3A_49, %get3A_52, %dot_general3A_53 {dimension_numbers = #tpu.dot_dimension_numbers<[1], [1], [0], [0], [0, 0, 1, 0], [], []>, transpose_lhs_hint = false} : vector<1000x256xf32>, vector<128x256xf32>, vector<1000x128xf32> -> vector<1000x128xf32>
    %get3A_55 = arith.constant 0 : index
    %get3A_56 = arith.constant 0 : index
    %get3A_57 = vector.load %arg10[%get3A_55, %get3A_56] : memref<1x128xf32, #tpu.memory_space<vmem>>, vector<1x128xf32>
    %add3A_58 = vector.broadcast %get3A_57 : vector<1x128xf32> to vector<1000x128xf32>
    %add3A_59 = arith.addf %dot_general3A_54, %add3A_58 : vector<1000x128xf32>
    %swap3A = arith.constant 0 : index
    %swap3A_60 = arith.constant 0 : index
    %swap3A_61 = vector.load %arg11[%swap3A, %swap3A_60] : memref<1000x128xf32, #tpu.memory_space<vmem>>, vector<1000x128xf32>
    tpu.vector_store %arg11[%swap3A, %swap3A_60], %add3A_59 {strides = array<i32>} : memref<1000x128xf32, #tpu.memory_space<vmem>>, vector<1000x128xf32>,
    return
  }
  func.func @transform_0(%arg0: i32) -> (i32, i32, i32) {
    %c0_i32 = arith.constant 0 : i32
    %c0_i32_0 = arith.constant 0 : i32
    %c0_i32_1 = arith.constant 0 : i32
    return %c0_i32, %arg0, %c0_i32_0 : i32, i32, i32
  }
  func.func @transform_1(%arg0: i32) -> (i32, i32) {
    %c0_i32 = arith.constant 0 : i32
    %c0_i32_0 = arith.constant 0 : i32
    return %arg0, %c0_i32 : i32, i32
  }
  func.func @transform_2(%arg0: i32) -> (i32, i32) {
    %c0_i32 = arith.constant 0 : i32
    %c0_i32_0 = arith.constant 0 : i32
    return %arg0, %c0_i32 : i32, i32
  }
  func.func @transform_3(%arg0: i32) -> (i32, i32) {
    %c0_i32 = arith.constant 0 : i32
    %c0_i32_0 = arith.constant 0 : i32
    %c0_i32_1 = arith.constant 0 : i32
    return %c0_i32, %c0_i32_0 : i32, i32
  }
  func.func @transform_4(%arg0: i32) -> (i32, i32) {
    %c0_i32 = arith.constant 0 : i32
    %c0_i32_0 = arith.constant 0 : i32
    %c0_i32_1 = arith.constant 0 : i32
    return %c0_i32, %c0_i32_0 : i32, i32
  }
  func.func @transform_5(%arg0: i32) -> (i32, i32) {
    %c0_i32 = arith.constant 0 : i32
    %c0_i32_0 = arith.constant 0 : i32
    %c0_i32_1 = arith.constant 0 : i32
    return %c0_i32, %c0_i32_0 : i32, i32
  }
  func.func @transform_6(%arg0: i32) -> (i32, i32) {
    %c0_i32 = arith.constant 0 : i32
    %c0_i32_0 = arith.constant 0 : i32
    %c0_i32_1 = arith.constant 0 : i32
    return %c0_i32, %c0_i32_0 : i32, i32
  }
  func.func @transform_7(%arg0: i32) -> (i32, i32) {
    %c0_i32 = arith.constant 0 : i32
    %c0_i32_0 = arith.constant 0 : i32
    %c0_i32_1 = arith.constant 0 : i32
    return %c0_i32, %c0_i32_0 : i32, i32
  }
  func.func @transform_8(%arg0: i32) -> (i32, i32) {
    %c0_i32 = arith.constant 0 : i32
    %c0_i32_0 = arith.constant 0 : i32
    %c0_i32_1 = arith.constant 0 : i32
    return %c0_i32, %c0_i32_0 : i32, i32
  }
  func.func @transform_9(%arg0: i32) -> (i32, i32) {
    %c0_i32 = arith.constant 0 : i32
    %c0_i32_0 = arith.constant 0 : i32
    %c0_i32_1 = arith.constant 0 : i32
    return %c0_i32, %c0_i32_0 : i32, i32
  }
  func.func @transform_10(%arg0: i32) -> (i32, i32) {
    %c0_i32 = arith.constant 0 : i32
    %c0_i32_0 = arith.constant 0 : i32
    return %arg0, %c0_i32 : i32, i32
  }
}

</mosaic_0001>

<sc_bundles>
// kernel: kernel.4.cloned.1.call-start
scs
__scs_entry_jumppad:
0x0: {  	(pc) =	sbr.rel $0x88, $3  }
0x1: {  	(tag) =	ssettag $0x0;
	lr =	simm.s32 $0x1  }
0x2: {  	[smem:$0x3F98] =	sst lr;
	_ =	strace $0xD0000000  }
0x3: {  	_ = 	snop  }
0x4: {  	_ = 	snop  }
0x5: {  	_ = 	snop  }
0x6: {  	_ = 	snop  }
0x7: {  	_ = 	snop  }
__scs_overlays_trampoline_lowered:
0x8: {  	[smem:$0x3FA7] =	sst s0  }
0x9: {  	[smem:$0x3FA8] =	sst s1  }
0xa: {  	[smem:$0x3FA9] =	sst s2  }
0xb: {  	[smem:$0x3FAA] =	sst s3  }
0xc: {  	[smem:$0x3FAB] =	sst s4  }
0xd: {  	[smem:$0x3FAC] =	sst s5  }
0xe: {  	[smem:$0x3FAD] =	sst s6  }
0xf: {  	[smem:$0x3FAE] =	sst s7  }
0x10: {  	[smem:$0x3FAF] =	sst s8  }
0x11: {  	[smem:$0x3FB0] =	sst s9;
	s0 =	simm.s32 @!p0 $0x0  }
0x12: {  	s1 =	sld [smem:$0x3F96];
	s0 =	simm.s32 @p0 $0x1  }
0x13: {  	[smem:$0x3FB1] =	sst s0;
	s0 =	simm.s32 @!p1 $0x0  }
0x14: {  	s2 =	sld [smem:$0x3F95];
	s0 =	simm.s32 @p1 $0x1  }
0x15: {  	[smem:$0x3FB2] =	sst s0;
	s0 =	simm.s32 @!p2 $0x0  }
0x16: {  	s3 =	sld [smem:$0x3FDB];
	s0 =	simm.s32 @p2 $0x1  }
0x17: {  	s4 =	simm.s32 $0x1BF5;
	[smem:$0x3FB4] =	sst s0  }
0x18: {  	s0 =	sld [smem:$0x3F97];
	_ =	swait.ge [sflag:s4], $0x0  }
0x19: {  	s7 =	sld [smem:$0x3F98]  }
0x1a: {  	s8 =	sadd.s32 $0xFFFFE003, lr  }
0x1b: {  	s9 =	sadd.s32 $0xFFFFFEF7, lr;
	s5 =	simm.s32 $0xFFFFFFFF;
	p2 =	slt.u32 s8, $0xFFFFF086  }
0x1c: {  	p1 =	slt.u32 s9, $0xF7A;
	s5 =	simm.s32 @!p2 $0x0  }
0x1d: {  	s5 =	simm.s32 @p1 $0x1;
	p0 =	seq.s32 s7, s2  }
0x1e: {  	s7 =	smul.u32 @!p0 $0xF7A, s2;
	p2 =	seq.s32 @!p0 s5, $0x0  }
0x1f: {  	s9 =	smul.u32 $0xF7A, s1;
	s8 =	simm.s32 @!p0 $0x1BF5;
	p2 =	por !p2, p0  }
0x20: {  	[sflag:s8] =	ssyncset.s32 @!p0 $0xFFFFF086;
	s6 =	sadd.s32 @!p0 s3, s7;
	s7 =	simm.s32 @!p0 $0x108  }
0x21: {  	s3 =	sadd.s32 s3, s9;
	s6 =	sadd.s32 @!p0 $0x88, s6;
	s7 =	simm.s32 @p2 $0x1082  }
0x22: {  	[simem:s7], [sflag:s8] =	dma.local @!p0 [hbm:s6], $0xF7A  }
0x23: {  	s9 =	sor.u32 $0xD0000000, s2;
	s6 =	simm.s32 $0x108;
	_ =	swait.ge @!p0 [sflag:s8], $0x0  }
0x24: {  	s3 =	sadd.s32 $0x88, s3;
	s6 =	simm.s32 @!p1 $0x1082;
	[sflag:s4] =	ssyncset.s32 $0xFFFFF086  }
0x25: {  	[simem:s6], [sflag:s4] =	dma.local [hbm:s3], $0xF7A  }
0x26: {  	[smem:$0x3F98] =	sst s1;
	(tag) =	ssettag s2;
	_ =	strace s9  }
0x27: {  	s1 =	sld [smem:$0x3FA8]  }
0x28: {  	s2 =	sld [smem:$0x3FA9]  }
0x29: {  	s4 =	sld [smem:$0x3FAB]  }
0x2a: {  	p0 =	seq.s32 s5, $0x0;
	s5 =	sld [smem:$0x3FAC]  }
0x2b: {  	s6 =	sld [smem:$0x3FAD]  }
0x2c: {  	s7 =	sld [smem:$0x3FAE]  }
0x2d: {  	s3 =	simm.s32 $0x108;
	s8 =	sld [smem:$0x3FAF]  }
0x2e: {  	s3 =	simm.s32 @!p0 $0x1082;
	s9 =	sld [smem:$0x3FB0]  }
0x2f: {  	lr =	sadd.s32 s0, s3;
	s0 =	sld [smem:$0x3FA7]  }
0x30: {  	s3 =	sld [smem:$0x3FAA]  }
0x31: {  	[smem:$0x3FB3] =	sst s10  }
0x32: {  	s10 =	sld [smem:$0x3FB1];
	_ =	sdelay $0x3  }
0x33: {  	p0 =	seq.s32 s10, $0x1;
	s10 =	sld [smem:$0x3FB3];
	_ =	sdelay $0x3  }
0x34: {  	[smem:$0x3FB3] =	sst s10  }
0x35: {  	s10 =	sld [smem:$0x3FB2];
	_ =	sdelay $0x3  }
0x36: {  	p1 =	seq.s32 s10, $0x1;
	s10 =	sld [smem:$0x3FB3];
	_ =	sdelay $0x3  }
0x37: {  	[smem:$0x3FB3] =	sst s10  }
0x38: {  	s10 =	sld [smem:$0x3FB4]  }
0x39: {  	_ = 	snop;
	(pc) =	sbr.ind lr, $3  }
0x3a: {  	_ = 	snop  }
0x3b: {  	_ = 	snop  }
0x3c: {  	p2 =	seq.s32 s10, $0x1;
	s10 =	sld [smem:$0x3FB3]  }
0x3d: {  	_ =	shalt  }
0x3e: {  	_ =	shalt  }
0x3f: {  	_ =	shalt  }
0x40: {  	_ =	shalt  }
0x41: {  	_ =	shalt  }
0x42: {  	_ =	shalt  }
0x43: {  	_ =	shalt  }
0x44: {  	_ =	shalt  }
0x45: {  	_ =	shalt  }
0x46: {  	_ =	shalt  }
0x47: {  	_ =	shalt  }
0x48: {  	_ =	shalt  }
0x49: {  	_ =	shalt  }
0x4a: {  	_ =	shalt  }
0x4b: {  	_ =	shalt  }
0x4c: {  	_ =	shalt  }
0x4d: {  	_ =	shalt  }
0x4e: {  	_ =	shalt  }
0x4f: {  	_ =	shalt  }
0x50: {  	_ =	shalt  }
0x51: {  	_ =	shalt  }
0x52: {  	_ =	shalt  }
0x53: {  	_ =	shalt  }
0x54: {  	_ =	shalt  }
0x55: {  	_ =	shalt  }
0x56: {  	_ =	shalt  }
0x57: {  	_ =	shalt  }
0x58: {  	_ =	shalt  }
0x59: {  	_ =	shalt  }
0x5a: {  	_ =	shalt  }
0x5b: {  	_ =	shalt  }
0x5c: {  	_ =	shalt  }
0x5d: {  	_ =	shalt  }
0x5e: {  	_ =	shalt  }
0x5f: {  	_ =	shalt  }
0x60: {  	_ =	shalt  }
0x61: {  	_ =	shalt  }
0x62: {  	_ =	shalt  }
0x63: {  	_ =	shalt  }
0x64: {  	_ =	shalt  }
0x65: {  	_ =	shalt  }
0x66: {  	_ =	shalt  }
0x67: {  	_ =	shalt  }
0x68: {  	_ =	shalt  }
0x69: {  	_ =	shalt  }
0x6a: {  	_ =	shalt  }
0x6b: {  	_ =	shalt  }
0x6c: {  	_ =	shalt  }
0x6d: {  	_ =	shalt  }
0x6e: {  	_ =	shalt  }
0x6f: {  	_ =	shalt  }
0x70: {  	_ =	shalt  }
0x71: {  	_ =	shalt  }
0x72: {  	_ =	shalt  }
0x73: {  	_ =	shalt  }
0x74: {  	_ =	shalt  }
0x75: {  	_ =	shalt  }
0x76: {  	_ =	shalt  }
0x77: {  	_ =	shalt  }
0x78: {  	_ =	shalt  }
0x79: {  	_ =	shalt  }
0x7a: {  	_ =	shalt  }
0x7b: {  	_ =	shalt  }
0x7c: {  	_ =	shalt  }
0x7d: {  	_ =	shalt  }
0x7e: {  	_ =	shalt  }
0x7f: {  	_ =	shalt  }
0x80: {  	_ =	shalt  }
0x81: {  	_ =	shalt  }
0x82: {  	_ =	shalt  }
0x83: {  	_ =	shalt  }
0x84: {  	_ =	shalt  }
0x85: {  	_ =	shalt  }
0x86: {  	_ =	shalt  }
0x87: {  	_ =	shalt  }
.Lfunc_end0:
.L_simem_size_0:
called_computation_lowered:
.L_overlay_start_0:
0x88: {  	s2 =	sld [smem:$0x3FD9]  }
0x89: {  	s3 =	sld [smem:$0x3FFE];
	_ =	sdelay $0x1  }
0x8a: {  	s1 =	srdreg.scid  }
0x8b: {  	s0 =	sand.u32 $0x1, s1  }
0x8c: {  	s17 =	sshll.u32 s0, $0xA;
	s2 =	sadd.s32 s3, s2  }
0x8d: {  	s2 =	sadd.s32 s2, s17  }
0x8e: {  	[smem:$0x3FBF] =	sst s2  }
0x8f: {  	_ = 	snop  }
0x90: {  	s2 =	sld [smem:$0x3FC9]  }
0x91: {  	s18 =	sld [smem:$0x3FD0];
	(tm) =	ssettm $0x1  }
0x92: {  	s4 =	sld [smem:$0x3FFB];
	_ =	sdelay $0x3  }
0x93: {  	_ =	strace s4  }
0x94: {  	s4 =	sld [smem:$0x3FFC];
	_ =	sdelay $0x3  }
0x95: {  	_ =	strace s4  }
0x96: {  	s4 =	sld [smem:$0x3FFD];
	_ =	sdelay $0x3  }
0x97: {  	_ =	strace s4  }
0x98: {  	_ =	strace $0x8FFFFFFF  }
0x99: {  	s19 =	sld [smem:$0x3FDB];
	_ =	sdelay $0x1  }
0x9a: {  	s5 =	simm.s32 $_scs_section_size  }
0x9b: {  	s6 =	simm.s32 $_size__tile_overlayer_lowered;
	s7 =	simm.s32 $_tile_overlayer_lowered  }
0x9c: {  	s22 =	simm.s32 $0x1BFF;
	s21 =	sshll.u32 s7, $0x1;
	s4 =	sadd.s32 s5, s19  }
0x9d: {  	s8 =	simm.s32 $0x0;
	s20 =	sshll.u32 s6, $0x1;
	s6 =	sadd.s32 s21, s4  }
0x9e: {  	[timem:s8], [sflag:s22] =	dma.local [hbm:s6], s20  }
0x9f: {  	_ =	swait.ge [sflag:s22], s20  }
0xa0: {  	s5 =	ssub.s32 $0x0, s20;
	[sflag:s22] =	ssyncset.done $0x0  }
0xa1: {  	[sflag:s22] =	ssyncadd.s32 s5;
	_ =	sdelay $0x1  }
0xa2: {  	s23 =	simm.s32 $0x1B8B  }
0xa3: {  	_ =	swait.ge [sflag:s23], $0x1  }
0xa4: {  	[sflag:s23] =	ssyncset.done $0x0  }
0xa5: {  	s25 =	simm.s32 $0x1B8E;
	s24 =	sld [smem:$0x3FFE];
	[sflag:s23] =	ssyncadd.s32 $0xFFFFFFFF  }
0xa6: {  	s26 =	simm.s32 $execute0_lowered;
	[smem:$0x3FD2] =	sst s25  }
0xa7: {  	s6 =	sshll.u32 s26, $0x1;
	_ =	strace $0x80000046;
	[dreg:$0x1] =	wrdreg $0xFFFFFFFF  }
0xa8: {  	s28 =	simm.s32 $_size_execute0_lowered;
	s4 =	sadd.s32 s4, s6;
	[dreg:$0x0] =	wrdreg $0x0  }
0xa9: {  	s6 =	sshll.u32 s28, $0x1;
	[dreg:$0x2] =	wrdreg s4  }
0xaa: {  	[dreg:$0x3] =	wrdreg s6  }
0xab: {  	[dreg:$0x4] =	wrdreg $0xC0  }
0xac: {  	_ =	task [dreg:s8], $0x5FFFF  }
0xad: {  	[dreg:$0x1] =	wrdreg $0xFFFFFFFF  }
0xae: {  	[dreg:$0x0] =	wrdreg $0x60  }
0xaf: {  	[dreg:$0x2] =	wrdreg s2  }
0xb0: {  	[dreg:$0x3] =	wrdreg s18  }
0xb1: {  	[dreg:$0x4] =	wrdreg s24  }
0xb2: {  	[dreg:$0x5] =	wrdreg $0xB4000  }
0xb3: {  	[dreg:$0x6] =	wrdreg $0x9  }
0xb4: {  	_ =	task.clear_ibuf [dreg:s8], $0x7FFFF;
	_ =	strace $0x90000046  }
0xb5: {  	s29 =	simm.s32 $0x9;
	_ =	strace $0x80000048  }
0xb6: {  	_ =	swait.ge [sflag:s29], $0x1  }
0xb7: {  	[sflag:s29] =	ssyncadd.s32 $0xFFFFFFFF  }
0xb8: {  	_ =	strace $0x90000048  }
0xb9: {  	_ =	sfence  }
0xba: {  	s30 =	sld [smem:$0x0];
	_ =	sdelay $0x2  }
0xbb: {  	s31 =	sshll.u32 s1, $0xD;
	s1 =	sshrl.u32 s1, $0x2  }
0xbc: {  	s3 =	sand.u32 $0x4000, s31;
	s1 =	sadd.s32 s1, s30  }
0xbd: {  	s0 =	sor.u32 s3, s0;
	s1 =	sshll.u32 s1, $0x11  }
0xbe: {  	s0 =	sor.u32 s1, s0  }
0xbf: {  	s0 =	sadd.s32 $0x8F2B, s0  }
0xc0: {  	[sflag:s0] =	ssyncadd.remote.s32 $0x1  }
0xc1: {  	_ =	sfence.sel $0xFFFF  }
0xc2: {  	[dreg:$0x0] =	wrdreg $0xFFFFFFFF;
	(pc) =	sbr.abs _section_cstart, $3  }
0xc3: {  	[dreg:$0x1] =	wrdreg $0xFFFFFFFF  }
0xc4: {  	_ =	task.clear_ibuf [dreg:s8], $0x2FFFF;
	_ =	strace $0x9FFFFFFF  }
0xc5: {  	(tm) =	ssettm $0x7FFFFFFF  }
tec
execute0_lowered:
.L_overlay_start_1:
0x0: {  	(tag) =	ssettag $0x1  }
0x1: {  	s1 =	rddreg [dreg:$0x0]  }
0x2: {  	s3 =	rddreg [dreg:$0x1]  }
0x3: {  	s8 =	rddreg [dreg:$0x2]  }
0x4: {  	s4 =	rddreg [dreg:$0x3];
	s5 =	srdreg.scid  }
0x5: {  	s2 =	stileid.u32;
	s16 =	simm.s32 $0x500;
	s17 =	simm.s32 $0x8C00  }
0x6: {  	s18 =	simm.s32 $0x80;
	s19 =	simm.s32 $0xA00;
	s20 =	simm.s32 $0xC00  }
0x7: {  	s21 =	simm.s32 $0x2;
	s22 =	simm.s32 $0xB80;
	s23 =	simm.s32 $0x4C00  }
0x8: {  	s24 =	simm.s32 $0x0;
	s9 =	sand.u32 $0x1, s5;
	s10 =	smul.u32 $0x14000, s2  }
0x9: {  	s5 =	simm.s32 $0x0;
	s7 =	sshll.u32 s2, $0x1;
	s6 =	smul.u32 $0x140000, s9  }
0xa: {  	[smem:$0x7FF] =	sst s5;
	s7 =	sor.u32 s9, s7;
	s9 =	ssub.s32 $0x2, s9  }
0xb: {  	s31 =	sshll.u32 s2, $0x6;
	_ =	strace $0x80000047;
	s13 =	sshrl.u32 s9, $0x1  }
0xc: {  	s15 =	sadd.s32 s10, s4;
	s11 =	sadd.s32 s10, s6;
	s6 =	smul.u32 $0x2800, s7  }
.Ltmp0:
0xd: {  	s7 =	sadd.s32 $0x1C00, s8;
	s13 =	ssub.s32 s9, s13;
	(pc) =	sbr.rel .LBB2_1-.Ltmp0, $4  }
0xe: {  	s11 =	sshrl.u32 s11, $0x3;
	s13 =	smax.u32 s13, $0x1;
	s12 =	sshrl.u32 s6, $0x3  }
0xf: {  	s11 =	sadd.s32 s11, s8;
	s14 =	sadd.s32 s12, s8;
	s9 =	sadd.s32 s3, s12  }
0x10: {  	s8 =	sor.u32 $0x1C04, s31;
	s11 =	sadd.s32 $0xE400, s11;
	s10 =	sadd.s32 $0xA0, s9  }
0x11: {  	v0 =	vimm.f32 $0.0e+00;
	s12 =	sadd.s32 $0x4400, s14;
	s14 =	sshrl.u32 s15, $0x3;
	s15 =	simm.s32 $0x4  }
.LBB2_6:
0x12: {  	[spmem:s4] =	stream.indirect.scatter.add.f32 [tilespmem:s23], [sflag:$0x2], $0x80, s22, s18, $0xb8;
	[tilespmem:$0x1F400] =	vst v63  }
.LBB2_9:
0x13: {  	_ =	swait.ge [sflag:s21], $0x4000  }
0x14: {  	[sflag:s21] =	ssyncset.done $0x0  }
0x15: {  	[sflag:s21] =	ssyncadd.s32 $0xFFFFC000  }
0x16: {  	[bflag:$0x0] =	sbarrier.arrive $0xFFFF  }
0x17: {  	[hbm:s11], [sflag:s8] =	dma.local [spmem:s14], $0x2800  }
0x18: {  	s24 =	sadd.s32 $0x1, s24;
	_ =	swait.ge [sflag:s15], $0x2800  }
0x19: {  	p0 =	sne.s32 s24, s13;
	[sflag:s15] =	ssyncset.done $0x0  }
.Ltmp1:
0x1a: {  	[sflag:s15] =	ssyncadd.s32 $0xFFFFD800;
	(pc) =	sbr.rel @!p0 .LBB2_10-.Ltmp1, $4  }
0x1b: {  	[hbm4b:s12+s5] =	stream.linear.scatter [tilespmem:s17], [sflag:$0x4], $0x2800, $0x38;
	[tilespmem:$0x1F400] =	vst v63  }
0x1c: {  	_ =	swait.ge [sflag:s15], $0x2800  }
0x1d: {  	[sflag:s15] =	ssyncset.done $0x0  }
0x1e: {  	[sflag:s15] =	ssyncadd.s32 $0xFFFFD800  }
.LBB2_1:
0x1f: {  	[spmem:s14], [sflag:s8] =	dma.local [hbm:s7], $0x2800  }
0x20: {  	_ =	swait.ge [sflag:s15], $0x2800  }
0x21: {  	[sflag:s15] =	ssyncset.done $0x0  }
0x22: {  	s25 =	simm.s32 $0x40;
	s26 =	simm.s32 $0x0;
	[sflag:s15] =	ssyncadd.s32 $0xFFFFD800  }
.LBB2_2:
0x23: {  	p0 =	sne.s32 s25, $0x9FC0;
	[tilespmem:s26+$0x8C00] =	vst v0;
	s26 =	smov.u32 s25;
	s25 =	sadd.s32 $0x40, s25  }
.Ltmp2:
0x24: {  	(pc) =	sbr.rel @p0 .LBB2_2-.Ltmp2, $2  }
0x25: {  	_ =	sdelay $0x2  }
0x26: {  	s26 =	sshra.s32 s26, $0x2  }
0x27: {  	[tilespmem:s26+$0x8C00] =	vst v0  }
0x28: {  	s25 =	simm.s32 $0x0;
	[bflag:$0x0] =	sbarrier.arrive $0xFFFF  }
0x29: {  	[tilespmem:s25], [sflag:$0x4] =	stream.linear.gather [hbm4b:s9+s25], $0x500, $0x38;
	[tilespmem:$0x1F400] =	vst v63  }
0x2a: {  	_ =	swait.ge [sflag:s15], $0x500  }
0x2b: {  	[sflag:s15] =	ssyncset.done $0x0  }
0x2c: {  	[sflag:s15] =	ssyncadd.s32 $0xFFFFFB00  }
0x2d: {  	[tilespmem:s16], [sflag:$0x3] =	stream.linear.gather [hbm4b:s10+s25], $0x500, $0x38;
	[tilespmem:$0x1F400] =	vst v63  }
0x2e: {  	v1 =	vld [tilespmem:$0x0];
	_ =	sdelay $0x4  }
0x2f: {  	v2 =	vshrl.u32 v1, $0xE  }
0x30: {  	(xrf1) =	vunique.msk.u32 $0xffff, v2;
	_ =	sdelay $0xd  }
0x31: {  	_, v3, vm0 =	vpop (xrf1);
	_ =	sdelay $0x3  }
0x32: {  	v1 =	vand.u32 $0x3FFF, v1;
	[tilespmem:$0xB00] =	vst v2;
	v3 =	vcvt.s32.f32 v3  }
0x33: {  	[tilespmem:$0xA00] =	vst v1  }
0x34: {  	[tilespmem:v2+s17+$0x0] =	vst.idx.add.f32.msk vm0, v3  }
0x35: {  	v1 =	vld [tilespmem:$0x10];
	_ =	sdelay $0x4  }
0x36: {  	v2 =	vshrl.u32 v1, $0xE  }
0x37: {  	(xrf1) =	vunique.msk.u32 $0xffff, v2;
	_ =	sdelay $0xd  }
0x38: {  	_, v3, vm0 =	vpop (xrf1);
	_ =	sdelay $0x3  }
0x39: {  	v1 =	vand.u32 $0x3FFF, v1;
	[tilespmem:$0xB10] =	vst v2;
	v3 =	vcvt.s32.f32 v3  }
0x3a: {  	[tilespmem:$0xA10] =	vst v1  }
0x3b: {  	[tilespmem:v2+s17+$0x0] =	vst.idx.add.f32.msk vm0, v3  }
0x3c: {  	v1 =	vld [tilespmem:$0x20];
	_ =	sdelay $0x4  }
0x3d: {  	v2 =	vshrl.u32 v1, $0xE  }
0x3e: {  	(xrf1) =	vunique.msk.u32 $0xffff, v2;
	_ =	sdelay $0xd  }
0x3f: {  	_, v3, vm0 =	vpop (xrf1);
	_ =	sdelay $0x3  }
0x40: {  	v1 =	vand.u32 $0x3FFF, v1;
	[tilespmem:$0xB20] =	vst v2;
	v3 =	vcvt.s32.f32 v3  }
0x41: {  	[tilespmem:$0xA20] =	vst v1  }
0x42: {  	[tilespmem:v2+s17+$0x0] =	vst.idx.add.f32.msk vm0, v3  }
0x43: {  	v1 =	vld [tilespmem:$0x30];
	_ =	sdelay $0x4  }
0x44: {  	v2 =	vshrl.u32 v1, $0xE  }
0x45: {  	(xrf1) =	vunique.msk.u32 $0xffff, v2;
	_ =	sdelay $0xd  }
0x46: {  	_, v3, vm0 =	vpop (xrf1);
	_ =	sdelay $0x3  }
0x47: {  	v1 =	vand.u32 $0x3FFF, v1;
	[tilespmem:$0xB30] =	vst v2;
	v3 =	vcvt.s32.f32 v3  }
0x48: {  	[tilespmem:$0xA30] =	vst v1  }
0x49: {  	[tilespmem:v2+s17+$0x0] =	vst.idx.add.f32.msk vm0, v3  }
0x4a: {  	v1 =	vld [tilespmem:$0x40];
	_ =	sdelay $0x4  }
0x4b: {  	v2 =	vshrl.u32 v1, $0xE  }
0x4c: {  	(xrf1) =	vunique.msk.u32 $0xffff, v2;
	_ =	sdelay $0xd  }
0x4d: {  	_, v3, vm0 =	vpop (xrf1);
	_ =	sdelay $0x3  }
0x4e: {  	v1 =	vand.u32 $0x3FFF, v1;
	[tilespmem:$0xB40] =	vst v2;
	v3 =	vcvt.s32.f32 v3  }
0x4f: {  	[tilespmem:$0xA40] =	vst v1  }
0x50: {  	[tilespmem:v2+s17+$0x0] =	vst.idx.add.f32.msk vm0, v3  }
0x51: {  	v1 =	vld [tilespmem:$0x50];
	_ =	sdelay $0x4  }
0x52: {  	v2 =	vshrl.u32 v1, $0xE  }
0x53: {  	(xrf1) =	vunique.msk.u32 $0xffff, v2;
	_ =	sdelay $0xd  }
0x54: {  	_, v3, vm0 =	vpop (xrf1);
	_ =	sdelay $0x3  }
0x55: {  	v1 =	vand.u32 $0x3FFF, v1;
	[tilespmem:$0xB50] =	vst v2;
	v3 =	vcvt.s32.f32 v3  }
0x56: {  	[tilespmem:$0xA50] =	vst v1  }
0x57: {  	[tilespmem:v2+s17+$0x0] =	vst.idx.add.f32.msk vm0, v3  }
0x58: {  	v1 =	vld [tilespmem:$0x60];
	_ =	sdelay $0x4  }
0x59: {  	v2 =	vshrl.u32 v1, $0xE  }
0x5a: {  	(xrf1) =	vunique.msk.u32 $0xffff, v2;
	_ =	sdelay $0xd  }
0x5b: {  	_, v3, vm0 =	vpop (xrf1);
	_ =	sdelay $0x3  }
0x5c: {  	v1 =	vand.u32 $0x3FFF, v1;
	[tilespmem:$0xB60] =	vst v2;
	v3 =	vcvt.s32.f32 v3  }
0x5d: {  	[tilespmem:$0xA60] =	vst v1  }
0x5e: {  	[tilespmem:v2+s17+$0x0] =	vst.idx.add.f32.msk vm0, v3  }
0x5f: {  	v1 =	vld [tilespmem:$0x70];
	_ =	sdelay $0x4  }
0x60: {  	v2 =	vshrl.u32 v1, $0xE  }
0x61: {  	(xrf1) =	vunique.msk.u32 $0xffff, v2;
	_ =	sdelay $0xd  }
0x62: {  	_, v3, vm0 =	vpop (xrf1);
	_ =	sdelay $0x2  }
.Ltmp3:
0x63: {  	v1 =	vand.u32 $0x3FFF, v1;
	(pc) =	sbr.rel .LBB2_4-.Ltmp3, $4  }
0x64: {  	[tilespmem:$0xA70] =	vst v1;
	v1 =	vcvt.s32.f32 v3  }
0x65: {  	[tilespmem:$0xB70] =	vst v2  }
0x66: {  	[tilespmem:v2+s17+$0x0] =	vst.idx.add.f32.msk vm0, v1  }
0x67: {  	[tilespmem:s20], [sflag:$0x1] =	stream.indirect.gather [hbm4b:s1+s18], $0x80, s19, s18, $0xb8;
	[tilespmem:$0x1F400] =	vst v63  }
.LBB2_7:
0x68: {  	s28 =	smul.u32 $0xCD, s26;
	_ =	sdelay $0x1  }
0x69: {  	s28 =	sshrl.u32 s28, $0xB  }
0x6a: {  	s28 =	sand.u32 $0x1F, s28  }
0x6b: {  	s29 =	smul.u32 $0xA, s28;
	_ =	sdelay $0x1  }
0x6c: {  	s29 =	ssub.s32 s26, s29  }
0x6d: {  	s30 =	sand.u32 $0xFF, s29  }
0x6e: {  	p0 =	sne.s32 s30, $0x0  }
0x6f: {  	p1 =	sgt.u32 @!p0 s25, $0x44  }
0x70: {  	p2 =	por p1, p0  }
0x71: {  	s29 =	simm.s32 @!p0 $0x3;
	s31 =	sadd.s32 @!p2 $0x1, s28  }
0x72: {  	_ =	swait.ge @!p0 [sflag:s29], $0x500;
	s0 =	smul.u32 @!p2 $0x500, s31;
	s31 =	sand.u32 @!p2 $0x1, s31  }
0x73: {  	[sflag:s29] =	ssyncset.done @!p0 $0x0;
	p3 =	seq.s32 @!p2 s31, $0x1  }
0x74: {  	[sflag:s29] =	ssyncadd.s32 @!p0 $0xFFFFFB00;
	s0 =	sadd.s32 @!p2 s6, s0;
	p3 =	por @!p0 !p3, p1  }
0x75: {  	s29 =	simm.s32 @!p2 $0x500;
	p3 =	por !p3, p0;
	s0 =	sshrl.u32 @!p2 s0, $0x3  }
0x76: {  	s31 =	simm.s32 @!p2 $0x0;
	s29 =	simm.s32 @!p3 $0x0;
	s0 =	sadd.s32 @!p2 s3, s0  }
0x77: {  	[tilespmem:s29], [sflag:$0x3] =	stream.linear.gather @!p2 [hbm4b:s0+s31], $0x500, $0x38;
	[tilespmem:$0x1F400] =	vst v63  }
0x78: {  	p1 =	por !p1, p0;
	s29 =	simm.s32 @!p0 $0x0  }
0x79: {  	s29 =	simm.s32 @p1 $0x0  }
0x7a: {  	s29 =	smov.u32 @p0 s30  }
.LBB2_8:
0x7b: {  	s0 =	sand.u32 $0x1, s28  }
0x7c: {  	p0 =	seq.s32 s0, $0x1;
	s0 =	simm.s32 $0x500  }
0x7d: {  	s30 =	sshll.u32 s29, $0x7;
	s0 =	simm.s32 @!p0 $0x0  }
0x7e: {  	s30 =	sadd.s32 s30, s0  }
0x7f: {  	v1 =	vld [tilespmem:s30+$0x0];
	_ =	sdelay $0x4  }
0x80: {  	v2 =	vshrl.u32 v1, $0xE  }
0x81: {  	(xrf1) =	vunique.msk.u32 $0xffff, v2;
	_ =	sdelay $0xd  }
0x82: {  	_, v3, vm0 =	vpop (xrf1);
	_ =	sdelay $0x1  }
0x83: {  	s31 =	sand.u32 $0x1, s26  }
0x84: {  	s0 =	sshll.u32 s31, $0x7  }
0x85: {  	v1 =	vand.u32 $0x3FFF, v1;
	[tilespmem:s0+$0xB00] =	vst v2;
	v3 =	vcvt.s32.f32 v3  }
0x86: {  	[tilespmem:s0+$0xA00] =	vst v1  }
0x87: {  	[tilespmem:v2+s17+$0x0] =	vst.idx.add.f32.msk vm0, v3  }
0x88: {  	v1 =	vld [tilespmem:s30+$0x10];
	_ =	sdelay $0x4  }
0x89: {  	v2 =	vshrl.u32 v1, $0xE  }
0x8a: {  	(xrf1) =	vunique.msk.u32 $0xffff, v2;
	_ =	sdelay $0xd  }
0x8b: {  	_, v3, vm0 =	vpop (xrf1);
	_ =	sdelay $0x3  }
0x8c: {  	v1 =	vand.u32 $0x3FFF, v1;
	[tilespmem:s0+$0xB10] =	vst v2;
	v3 =	vcvt.s32.f32 v3  }
0x8d: {  	[tilespmem:s0+$0xA10] =	vst v1  }
0x8e: {  	[tilespmem:v2+s17+$0x0] =	vst.idx.add.f32.msk vm0, v3  }
0x8f: {  	v1 =	vld [tilespmem:s30+$0x20];
	_ =	sdelay $0x4  }
0x90: {  	v2 =	vshrl.u32 v1, $0xE  }
0x91: {  	(xrf1) =	vunique.msk.u32 $0xffff, v2;
	_ =	sdelay $0xd  }
0x92: {  	_, v3, vm0 =	vpop (xrf1);
	_ =	sdelay $0x3  }
0x93: {  	v1 =	vand.u32 $0x3FFF, v1;
	[tilespmem:s0+$0xB20] =	vst v2;
	v3 =	vcvt.s32.f32 v3  }
0x94: {  	[tilespmem:s0+$0xA20] =	vst v1  }
0x95: {  	[tilespmem:v2+s17+$0x0] =	vst.idx.add.f32.msk vm0, v3  }
0x96: {  	v1 =	vld [tilespmem:s30+$0x30];
	_ =	sdelay $0x4  }
0x97: {  	v2 =	vshrl.u32 v1, $0xE  }
0x98: {  	(xrf1) =	vunique.msk.u32 $0xffff, v2;
	_ =	sdelay $0xd  }
0x99: {  	_, v3, vm0 =	vpop (xrf1);
	_ =	sdelay $0x3  }
0x9a: {  	v1 =	vand.u32 $0x3FFF, v1;
	[tilespmem:s0+$0xB30] =	vst v2;
	v3 =	vcvt.s32.f32 v3  }
0x9b: {  	[tilespmem:s0+$0xA30] =	vst v1  }
0x9c: {  	[tilespmem:v2+s17+$0x0] =	vst.idx.add.f32.msk vm0, v3  }
0x9d: {  	v1 =	vld [tilespmem:s30+$0x40];
	_ =	sdelay $0x4  }
0x9e: {  	v2 =	vshrl.u32 v1, $0xE  }
0x9f: {  	(xrf1) =	vunique.msk.u32 $0xffff, v2;
	_ =	sdelay $0xd  }
0xa0: {  	_, v3, vm0 =	vpop (xrf1);
	_ =	sdelay $0x3  }
0xa1: {  	v1 =	vand.u32 $0x3FFF, v1;
	[tilespmem:s0+$0xB40] =	vst v2;
	v3 =	vcvt.s32.f32 v3  }
0xa2: {  	[tilespmem:s0+$0xA40] =	vst v1  }
0xa3: {  	[tilespmem:v2+s17+$0x0] =	vst.idx.add.f32.msk vm0, v3  }
0xa4: {  	v1 =	vld [tilespmem:s30+$0x50];
	_ =	sdelay $0x4  }
0xa5: {  	v2 =	vshrl.u32 v1, $0xE  }
0xa6: {  	(xrf1) =	vunique.msk.u32 $0xffff, v2;
	_ =	sdelay $0xd  }
0xa7: {  	_, v3, vm0 =	vpop (xrf1);
	_ =	sdelay $0x3  }
0xa8: {  	v1 =	vand.u32 $0x3FFF, v1;
	[tilespmem:s0+$0xB50] =	vst v2;
	v3 =	vcvt.s32.f32 v3  }
0xa9: {  	[tilespmem:s0+$0xA50] =	vst v1  }
0xaa: {  	[tilespmem:v2+s17+$0x0] =	vst.idx.add.f32.msk vm0, v3  }
0xab: {  	v1 =	vld [tilespmem:s30+$0x60];
	_ =	sdelay $0x4  }
0xac: {  	v2 =	vshrl.u32 v1, $0xE  }
0xad: {  	(xrf1) =	vunique.msk.u32 $0xffff, v2;
	_ =	sdelay $0xd  }
0xae: {  	_, v3, vm0 =	vpop (xrf1);
	_ =	sdelay $0x3  }
0xaf: {  	v1 =	vand.u32 $0x3FFF, v1;
	[tilespmem:s0+$0xB60] =	vst v2;
	v3 =	vcvt.s32.f32 v3  }
0xb0: {  	[tilespmem:s0+$0xA60] =	vst v1  }
0xb1: {  	[tilespmem:v2+s17+$0x0] =	vst.idx.add.f32.msk vm0, v3  }
0xb2: {  	v1 =	vld [tilespmem:s30+$0x70];
	_ =	sdelay $0x4  }
0xb3: {  	v2 =	vshrl.u32 v1, $0xE  }
0xb4: {  	(xrf1) =	vunique.msk.u32 $0xffff, v2;
	_ =	sdelay $0xd  }
0xb5: {  	_, v3, vm0 =	vpop (xrf1);
	_ =	sdelay $0x2  }
0xb6: {  	v1 =	vand.u32 $0x3FFF, v1  }
0xb7: {  	s25 =	sand.u32 $0x1, s25;
	[tilespmem:s0+$0xA70] =	vst v1;
	v1 =	vcvt.s32.f32 v3  }
0xb8: {  	p0 =	sne.s32 s26, $0x50;
	s30 =	sshll.u32 s31, $0xE;
	s31 =	sshll.u32 s25, $0xE;
	[tilespmem:s0+$0xB70] =	vst v2  }
.Ltmp4:
0xb9: {  	s25 =	sshll.u32 s25, $0x7;
	s0 =	sor.u32 $0xC00, s30;
	[tilespmem:v2+s17+$0x0] =	vst.idx.add.f32.msk vm0, v1;
	(pc) =	sbr.rel @!p0 .LBB2_9-.Ltmp4, $4  }
0xba: {  	[tilespmem:s0], [sflag:$0x1] =	stream.indirect.gather [hbm4b:s1+s18], $0x80, s19, s18, $0xb8;
	[tilespmem:$0x1F400] =	vst v63  }
0xbb: {  	s25 =	sor.u32 $0xB00, s25;
	s0 =	sor.u32 $0xC00, s31  }
0xbc: {  	[spmem:s4] =	stream.indirect.scatter.add.f32 [tilespmem:s0], [sflag:$0x2], $0x80, s25, s18, $0xb8;
	[tilespmem:$0x1F400] =	vst v63  }
0xbd: {  	s25 =	smov.u32 s26  }
.LBB2_4:
0xbe: {  	p0 =	seq.s32 s25, $0x0  }
.Ltmp5:
0xbf: {  	_ = 	snop;
	(pc) =	sbr.rel @p0 .LBB2_8-.Ltmp5, $4  }
0xc0: {  	s29 =	simm.s32 $0x1  }
0xc1: {  	_ =	swait.ge [sflag:s29], $0x4000  }
0xc2: {  	[sflag:s29] =	ssyncset.done $0x0  }
0xc3: {  	s26 =	sadd.s32 $0x1, s25;
	s28 =	simm.s32 $0x0;
	[sflag:s29] =	ssyncadd.s32 $0xFFFFC000  }
0xc4: {  	p0 =	sne.s32 s25, $0x4F  }
.Ltmp6:
0xc5: {  	_ = 	snop;
	(pc) =	sbr.rel @p0 .LBB2_7-.Ltmp6, $4  }
.Ltmp7:
0xc6: {  	_ = 	snop;
	(pc) =	sbr.rel @!p0 .LBB2_6-.Ltmp7, $4  }
0xc7: {  	_ =	swait.ge [sflag:s21], $0x4000  }
0xc8: {  	[sflag:s21] =	ssyncset.done $0x0  }
0xc9: {  	[sflag:s21] =	ssyncadd.s32 $0xFFFFC000  }
0xca: {  	_ = 	snop  }
.LBB2_10:
0xcb: {  	_ =	sfence.sel $0x180000  }
0xcc: {  	[bflag:$0x0] =	sbarrier.arrive $0xFFFF  }
0xcd: {  	_ =	strace $0x90000047  }
0xce: {  	[bflag:$0x2] =	sbarrier.arrive $0xFFFF  }
0xcf: {  	p0 =	sne.s32 s2, $0x0;
	s0 =	rddreg [dreg:$0x4]  }
0xd0: {  	s0 =	sadd.s32 @!p0 $0x100000, s0  }
0xd1: {  	[sflag:s0] =	ssyncadd.tile.s32 @!p0 $0x1;
	_ =	shalt  }
.Lfunc_end2:
_tile_overlayer_lowered:
.L_overlay_start_2:
0xd2: {  	(tag) =	ssettag $0x2  }
0xd3: {  	s0 =	rddreg [dreg:$0x0];
	s2 =	stileid.u32  }
0xd4: {  	s1 =	rddreg [dreg:$0x1];
	p0 =	sne.s32 s2, $0x0  }
0xd5: {  	s3 =	rddreg [dreg:$0x2];
	[bflag:$0x3] =	sbarrier.arrive $0xFFFF;
	s2 =	simm.s32 @!p0 $0x1C04  }
0xd6: {  	[timem:s3], [sflag:s2] =	dma.local @!p0 [hbm:s0], s1  }
0xd7: {  	s0 =	simm.s32 @!p0 $0x4  }
0xd8: {  	_ =	swait.ge @!p0 [sflag:s0], s1  }
0xd9: {  	s1 =	ssub.s32 @!p0 $0x0, s1;
	[sflag:s0] =	ssyncset.done @!p0 $0x0  }
0xda: {  	[sflag:s0] =	ssyncadd.s32 @!p0 s1  }
0xdb: {  	[bflag:$0x3] =	sbarrier.arrive $0xFFFF  }
0xdc: {  	_ =	shalt  }

</sc_bundles>
